<compile_context>
chip_gen: v7x
topology: tpu7x:2x2x1
jax: 0.10.2.dev20260603
libtpu: 0.0.44.dev20260713+nightly
codegen_flags: <defaults>
</compile_context>

<pallas_src>
import functools

import jax
import jax.numpy as jnp
from jax import lax
from jax.experimental import pallas as pl
from jax.experimental.pallas import tpu as pltpu
from jax.experimental.pallas import tpu_sc as plsc

TOTAL = 32768
D = 256
NSEG = 16
LANES = 16
NVEC = D // LANES

TC_ROWS = 18432
SC_ROWS = TOTAL - TC_ROWS

NC = 2
NS = 16
NW = NC * NS
ROWS_PER_W = SC_ROWS // NW
CHUNK = 64
NCHUNK = ROWS_PER_W // CHUNK

TBLK = 2048
TC_STEPS = TC_ROWS // TBLK


def _sc_segsum_body(
    flat_hbm, cu_hbm, psum_hbm, cu_v, buf0, buf1, acc_v, sem0, sem1
):
  cid = lax.axis_index("c")
  sid = lax.axis_index("s")
  wid = sid * NC + cid
  base = TC_ROWS + wid * ROWS_PER_W

  pltpu.sync_copy(cu_hbm.at[pl.ds(0, LANES)], cu_v.at[pl.ds(0, LANES)])
  cu_v[pl.ds(LANES, LANES)] = jnp.full((LANES,), TOTAL, jnp.int32)

  def cu_at(k):
    return cu_v[pl.ds(k, LANES)][0]

  zeros = jnp.zeros((LANES,), jnp.float32)

  @pl.loop(0, NSEG)
  def _zero(s):
    for j in range(NVEC):
      acc_v[s, pl.ds(j * LANES, LANES)] = zeros

  bufs = (buf0, buf1)
  sems = (sem0, sem1)

  pltpu.async_copy(flat_hbm.at[pl.ds(base, CHUNK)], bufs[0], sems[0])

  def compute(buf, row0):
    @pl.loop(0, NSEG)
    def _seg(k):
      lo = jnp.maximum(cu_at(k), row0) - row0
      hi = jnp.minimum(cu_at(k + 1), row0 + CHUNK) - row0

      @pl.when(hi > lo)
      def _():
        init = tuple(acc_v[k, pl.ds(j * LANES, LANES)] for j in range(NVEC))

        @pl.loop(lo, hi, init_carry=init)
        def acc(r, carry):
          return tuple(
              carry[j] + buf[r, pl.ds(j * LANES, LANES)]
              for j in range(NVEC)
          )

        for j in range(NVEC):
          acc_v[k, pl.ds(j * LANES, LANES)] = acc[j]

  @pl.loop(0, NCHUNK, step=2)
  def _pair(ch):
    for b in range(2):
      cur = ch + b

      @pl.when(cur < NCHUNK)
      def _():
        @pl.when(cur + 1 < NCHUNK)
        def _():
          pltpu.async_copy(
              flat_hbm.at[pl.ds(base + (cur + 1) * CHUNK, CHUNK)],
              bufs[1 - b],
              sems[1 - b],
          )

        pltpu.make_async_copy(
            flat_hbm.at[pl.ds(0, CHUNK)], bufs[b], sems[b]
        ).wait()
        compute(bufs[b], base + cur * CHUNK)

  pltpu.sync_copy(acc_v, psum_hbm.at[wid])


@functools.partial(
    pl.kernel,
    out_type=jax.ShapeDtypeStruct((NW, NSEG, D), jnp.float32),
    mesh=plsc.VectorSubcoreMesh(core_axis_name="c", subcore_axis_name="s"),
    scratch_types=[
        pltpu.VMEM((2 * LANES,), jnp.int32),
        pltpu.VMEM((CHUNK, D), jnp.float32),
        pltpu.VMEM((CHUNK, D), jnp.float32),
        pltpu.VMEM((NSEG, D), jnp.float32),
        pltpu.SemaphoreType.DMA,
        pltpu.SemaphoreType.DMA,
    ],
)
def _sc_segsum(flat_hbm, cu_hbm, psum_hbm, cu_v, buf0, buf1, acc_v, s0, s1):
  _sc_segsum_body(flat_hbm, cu_hbm, psum_hbm, cu_v, buf0, buf1, acc_v, s0, s1)


def _tc_segsum_body(cu_ref, flat_ref, out_ref):
  i = pl.program_id(0)
  rows = lax.broadcasted_iota(jnp.int32, (1, TBLK), 1) + i * TBLK
  segid = jnp.zeros((1, TBLK), jnp.int32)
  for s in range(1, NSEG):
    segid += (rows >= cu_ref[s]).astype(jnp.int32)
  onehot = (
      lax.broadcasted_iota(jnp.int32, (NSEG, TBLK), 0) == segid
  ).astype(jnp.float32)
  part = jnp.dot(
      onehot,
      flat_ref[...],
      preferred_element_type=jnp.float32,
      precision=lax.Precision.HIGHEST,
  )

  @pl.when(i == 0)
  def _():
    out_ref[...] = part

  @pl.when(i > 0)
  def _():
    out_ref[...] += part


_tc_segsum = pl.pallas_call(
    _tc_segsum_body,
    grid=(TC_STEPS,),
    out_shape=jax.ShapeDtypeStruct((NSEG, D), jnp.float32),
    in_specs=[
        pl.BlockSpec(memory_space=pltpu.SMEM),
        pl.BlockSpec((TBLK, D), lambda i: (i, 0)),
    ],
    out_specs=pl.BlockSpec((NSEG, D), lambda i: (0, 0)),
)


def _mlp_body(
    cu_ref, psum_ref, psum_tc_ref, w1_ref, b1_ref, w2_ref, b2_ref, out_ref
):
  sums = jnp.sum(psum_ref[...], axis=0) + psum_tc_ref[...]
  scales = []
  for s in range(NSEG):
    cnt = (cu_ref[s + 1] - cu_ref[s]).astype(jnp.float32)
    scales.append(jnp.full((1, D), 1.0 / jnp.maximum(cnt, 1.0), jnp.float32))
  mean = sums * jnp.concatenate(scales, axis=0)
  h = jnp.maximum(
      jnp.dot(
          mean,
          w1_ref[...],
          preferred_element_type=jnp.float32,
          precision=lax.Precision.HIGHEST,
      )
      + b1_ref[...],
      0.0,
  )
  out_ref[...] = (
      jnp.dot(
          h,
          w2_ref[...],
          preferred_element_type=jnp.float32,
          precision=lax.Precision.HIGHEST,
      )
      + b2_ref[...]
  )


_mlp_call = pl.pallas_call(
    _mlp_body,
    out_shape=jax.ShapeDtypeStruct((NSEG, D), jnp.float32),
    in_specs=[
        pl.BlockSpec(memory_space=pltpu.SMEM),
        pl.BlockSpec(memory_space=pltpu.VMEM),
        pl.BlockSpec(memory_space=pltpu.VMEM),
        pl.BlockSpec(memory_space=pltpu.VMEM),
        pl.BlockSpec(memory_space=pltpu.VMEM),
        pl.BlockSpec(memory_space=pltpu.VMEM),
        pl.BlockSpec(memory_space=pltpu.VMEM),
    ],
    out_specs=pl.BlockSpec(memory_space=pltpu.VMEM),
)


@jax.jit
def kernel(flat, cu_seqlens, W1, b1, W2, b2):
  psum_sc = _sc_segsum(flat, cu_seqlens)
  psum_tc = _tc_segsum(cu_seqlens, flat)
  return _mlp_call(
      cu_seqlens, psum_sc, psum_tc, W1, b1.reshape(1, -1), W2,
      b2.reshape(1, -1)
  )

# --- scband reference (transcript-rebuilt; emitter-appended) ---
"""Pipeline reference for scband-graph-model-50989851738523 (READ-ONLY COPY).

The authoritative reference and input builder live on the scoring server;
editing this copy changes nothing except your own understanding.
"""

import jax, jax.numpy as jnp
import numpy as np

TOTAL = 32768
D = 256
H = 256
B = 16

def setup_inputs(seed: int = 0) -> dict:
    key = jax.random.key(seed)
    k1, k2, k3, k4 = jax.random.split(key, 4)
    flat = jax.random.normal(k1, (TOTAL, D), dtype=jnp.float32)
    inner = jnp.sort(jax.random.randint(k2, (B - 1,), 0, TOTAL)).astype(jnp.int32)
    cu_seqlens = jnp.concatenate([
        jnp.zeros((1,), jnp.int32),
        inner,
        jnp.full((1,), TOTAL, jnp.int32),
    ])
    W1 = jax.random.normal(k3, (D, H), dtype=jnp.float32) * 0.02
    b1 = jnp.zeros((H,), jnp.float32)
    W2 = jax.random.normal(k4, (H, D), dtype=jnp.float32) * 0.02
    b2 = jnp.zeros((D,), jnp.float32)
    return {"flat": flat, "cu_seqlens": cu_seqlens, "W1": W1, "b1": b1, "W2": W2, "b2": b2}

def reference(flat, cu_seqlens, W1, b1, W2, b2):
    total = flat.shape[0]
    nseg = cu_seqlens.shape[0] - 1
    token_ids = jnp.arange(total)
    seg_ids = jnp.searchsorted(cu_seqlens, token_ids, side='right') - 1
    seg_ids = jnp.clip(seg_ids, 0, nseg - 1)
    sums = jax.ops.segment_sum(flat, seg_ids, num_segments=nseg)
    counts = jax.ops.segment_sum(jnp.ones((total,), flat.dtype), seg_ids, num_segments=nseg)
    mean = sums / jnp.maximum(counts, 1.0)[:, None]
    h = jax.nn.relu(mean @ W1 + b1)
    out = h @ W2 + b2
    return out

if __name__ == "__main__":
    import jax
    _d = setup_inputs()
    print(jax.jit(kernel)(*tuple(_d.values())))

</pallas_src>

<mosaic_0001>
#map = affine_map<(d0, d1) -> (0, 0)>
#map1 = affine_map<(d0, d1) -> (0)>
#map2 = affine_map<(d0, d1) -> (0, 0, 0)>
module attributes {stable_mosaic.version = 14 : i64} {
  func.func @_sc_segsum(%arg0: i32, %arg1: i32, %arg2: memref<32768x256xf32, #tpu.memory_space<hbm>>, %arg3: memref<17xi32, #tpu.memory_space<hbm>>, %arg4: memref<32x16x256xf32, #tpu.memory_space<hbm>>, %arg5: memref<32xi32, #tpu.memory_space<vmem>>, %arg6: memref<64x256xf32, #tpu.memory_space<vmem>>, %arg7: memref<64x256xf32, #tpu.memory_space<vmem>>, %arg8: memref<16x256xf32, #tpu.memory_space<vmem>>, %arg9: memref<!tpu.dma_semaphore, #tpu.memory_space<semaphore_mem>>, %arg10: memref<!tpu.dma_semaphore, #tpu.memory_space<semaphore_mem>>) attributes {dimension_semantics = [#tpu.dimension_semantics<core_parallel>, #tpu.dimension_semantics<subcore_parallel>], iteration_bounds = array<i64: 2, 16>, scalar_prefetch = 0 : i64, scratch_operands = 6 : i64, tpu.core_type = #tpu.core_type<sc_vector_subcore>, window_params = [{transform_indices = #map}, {transform_indices = #map1}, {transform_indices = #map2}]} {
    %mul3A = arith.constant 2 : i32
    %mul3A_0 = arith.muli %arg1, %mul3A : i32
    %add3A = arith.addi %mul3A_0, %arg0 : i32
    %mul3A_1 = arith.constant 448 : i32
    %mul3A_2 = arith.muli %add3A, %mul3A_1 : i32
    %add3A_3 = arith.constant 18432 : i32
    %add3A_4 = arith.addi %add3A_3, %mul3A_2 : i32
    "tpu.region"() ({
      %run_scoped3A = tpu.sem_alloc : memref<!tpu.dma_semaphore, #tpu.memory_space<semaphore_mem>>
      %dma_start3A_23 = arith.constant 0 : i32
      %dma_start3A_24 = tpu.memref_slice %arg5[%dma_start3A_23] : memref<32xi32, #tpu.memory_space<vmem>> -> memref<16xi32, #tpu.memory_space<vmem>>
      %dma_start3A_25 = arith.constant 0 : i32
      %dma_start3A_26 = tpu.memref_slice %arg3[%dma_start3A_25] : memref<17xi32, #tpu.memory_space<hbm>> -> memref<16xi32, #tpu.memory_space<hbm>>
      %dma_start3A_27 = arith.constant 0 : i32
      %dma_start3A_28 = tpu.memref_slice %arg5[%dma_start3A_27] : memref<32xi32, #tpu.memory_space<vmem>> -> memref<16xi32, #tpu.memory_space<vmem>>
      %dma_start3A_29 = arith.constant 0 : i32
      %dma_start3A_30 = tpu.memref_slice %arg3[%dma_start3A_29] : memref<17xi32, #tpu.memory_space<hbm>> -> memref<16xi32, #tpu.memory_space<hbm>>
      tpu.enqueue_dma source(%dma_start3A_30 : memref<16xi32, #tpu.memory_space<hbm>>) target(%dma_start3A_28 : memref<16xi32, #tpu.memory_space<vmem>>) target_semaphore(%run_scoped3A : memref<!tpu.dma_semaphore, #tpu.memory_space<semaphore_mem>>)
      %dma_wait3A = arith.constant 0 : i32
      %dma_wait3A_31 = tpu.memref_slice %arg5[%dma_wait3A] : memref<32xi32, #tpu.memory_space<vmem>> -> memref<16xi32, #tpu.memory_space<vmem>>
      %dma_wait3A_32 = arith.constant 0 : i32
      %dma_wait3A_33 = tpu.memref_slice %arg3[%dma_wait3A_32] : memref<17xi32, #tpu.memory_space<hbm>> -> memref<16xi32, #tpu.memory_space<hbm>>
      %dma_wait3A_34 = arith.constant 0 : i32
      %dma_wait3A_35 = tpu.memref_slice %arg5[%dma_wait3A_34] : memref<32xi32, #tpu.memory_space<vmem>> -> memref<16xi32, #tpu.memory_space<vmem>>
      %dma_wait3A_36 = arith.constant 0 : i32
      %dma_wait3A_37 = tpu.memref_slice %arg3[%dma_wait3A_36] : memref<17xi32, #tpu.memory_space<hbm>> -> memref<16xi32, #tpu.memory_space<hbm>>
      tpu.wait_dma2 semaphore(%run_scoped3A : memref<!tpu.dma_semaphore, #tpu.memory_space<semaphore_mem>>) src(%dma_wait3A_37 : memref<16xi32, #tpu.memory_space<hbm>>) dst(%dma_wait3A_35 : memref<16xi32, #tpu.memory_space<vmem>>)
      tpu.yield
    }) : () -> ()
    %broadcast_in_dim3A = arith.constant 32768 : i32
    %broadcast_in_dim3A_5 = vector.broadcast %broadcast_in_dim3A : i32 to vector<16xi32>
    %swap3A = arith.constant 16 : index
    %swap3A_6 = tpu.vector_load %arg5[%swap3A] {strides = array<i32>} : memref<32xi32, #tpu.memory_space<vmem>>, vector<16xi32>,
    %swap3A_7 = vector.shape_cast %swap3A_6 : vector<16xi32> to vector<16xi32>
    %swap3A_8 = vector.shape_cast %broadcast_in_dim3A_5 : vector<16xi32> to vector<16xi32>
    tpu.vector_store %arg5[%swap3A], %swap3A_8 {strides = array<i32>} : memref<32xi32, #tpu.memory_space<vmem>>, vector<16xi32>,
    %broadcast_in_dim3A_9 = arith.constant 0.000000e+00 : f32
    %broadcast_in_dim3A_10 = vector.broadcast %broadcast_in_dim3A_9 : f32 to vector<16xf32>
    %scan3A = arith.constant 0 : i32
    %scan3A_11 = arith.constant 16 : i32
    %scan3A_12 = arith.addi %scan3A, %scan3A_11 : i32
    %scan3A_13 = arith.constant 1 : i32
    scf.for %scan3A_23 = %scan3A to %scan3A_12 step %scan3A_13  : i32 {
      %mul3A_24 = arith.constant 1 : i32
      %mul3A_25 = arith.muli %scan3A_23, %mul3A_24 : i32
      %add3A_26 = arith.constant 0 : i32
      %add3A_27 = arith.addi %add3A_26, %mul3A_25 : i32
      %swap3A_28 = arith.index_cast %add3A_27 : i32 to index
      %swap3A_29 = arith.constant 0 : index
      %swap3A_30 = tpu.vector_load %arg8[%swap3A_28, %swap3A_29] {strides = array<i32>} : memref<16x256xf32, #tpu.memory_space<vmem>>, vector<1x16xf32>,
      %swap3A_31 = vector.shape_cast %swap3A_30 : vector<1x16xf32> to vector<16xf32>
      %swap3A_32 = vector.shape_cast %broadcast_in_dim3A_10 : vector<16xf32> to vector<1x16xf32>
      tpu.vector_store %arg8[%swap3A_28, %swap3A_29], %swap3A_32 {strides = array<i32>} : memref<16x256xf32, #tpu.memory_space<vmem>>, vector<1x16xf32>,
      %swap3A_33 = arith.index_cast %add3A_27 : i32 to index
      %swap3A_34 = arith.constant 16 : index
      %swap3A_35 = tpu.vector_load %arg8[%swap3A_33, %swap3A_34] {strides = array<i32>} : memref<16x256xf32, #tpu.memory_space<vmem>>, vector<1x16xf32>,
      %swap3A_36 = vector.shape_cast %swap3A_35 : vector<1x16xf32> to vector<16xf32>
      %swap3A_37 = vector.shape_cast %broadcast_in_dim3A_10 : vector<16xf32> to vector<1x16xf32>
      tpu.vector_store %arg8[%swap3A_33, %swap3A_34], %swap3A_37 {strides = array<i32>} : memref<16x256xf32, #tpu.memory_space<vmem>>, vector<1x16xf32>,
      %swap3A_38 = arith.index_cast %add3A_27 : i32 to index
      %swap3A_39 = arith.constant 32 : index
      %swap3A_40 = tpu.vector_load %arg8[%swap3A_38, %swap3A_39] {strides = array<i32>} : memref<16x256xf32, #tpu.memory_space<vmem>>, vector<1x16xf32>,
      %swap3A_41 = vector.shape_cast %swap3A_40 : vector<1x16xf32> to vector<16xf32>
      %swap3A_42 = vector.shape_cast %broadcast_in_dim3A_10 : vector<16xf32> to vector<1x16xf32>
      tpu.vector_store %arg8[%swap3A_38, %swap3A_39], %swap3A_42 {strides = array<i32>} : memref<16x256xf32, #tpu.memory_space<vmem>>, vector<1x16xf32>,
      %swap3A_43 = arith.index_cast %add3A_27 : i32 to index
      %swap3A_44 = arith.constant 48 : index
      %swap3A_45 = tpu.vector_load %arg8[%swap3A_43, %swap3A_44] {strides = array<i32>} : memref<16x256xf32, #tpu.memory_space<vmem>>, vector<1x16xf32>,
      %swap3A_46 = vector.shape_cast %swap3A_45 : vector<1x16xf32> to vector<16xf32>
      %swap3A_47 = vector.shape_cast %broadcast_in_dim3A_10 : vector<16xf32> to vector<1x16xf32>
      tpu.vector_store %arg8[%swap3A_43, %swap3A_44], %swap3A_47 {strides = array<i32>} : memref<16x256xf32, #tpu.memory_space<vmem>>, vector<1x16xf32>,
      %swap3A_48 = arith.index_cast %add3A_27 : i32 to index
      %swap3A_49 = arith.constant 64 : index
      %swap3A_50 = tpu.vector_load %arg8[%swap3A_48, %swap3A_49] {strides = array<i32>} : memref<16x256xf32, #tpu.memory_space<vmem>>, vector<1x16xf32>,
      %swap3A_51 = vector.shape_cast %swap3A_50 : vector<1x16xf32> to vector<16xf32>
      %swap3A_52 = vector.shape_cast %broadcast_in_dim3A_10 : vector<16xf32> to vector<1x16xf32>
      tpu.vector_store %arg8[%swap3A_48, %swap3A_49], %swap3A_52 {strides = array<i32>} : memref<16x256xf32, #tpu.memory_space<vmem>>, vector<1x16xf32>,
      %swap3A_53 = arith.index_cast %add3A_27 : i32 to index
      %swap3A_54 = arith.constant 80 : index
      %swap3A_55 = tpu.vector_load %arg8[%swap3A_53, %swap3A_54] {strides = array<i32>} : memref<16x256xf32, #tpu.memory_space<vmem>>, vector<1x16xf32>,
      %swap3A_56 = vector.shape_cast %swap3A_55 : vector<1x16xf32> to vector<16xf32>
      %swap3A_57 = vector.shape_cast %broadcast_in_dim3A_10 : vector<16xf32> to vector<1x16xf32>
      tpu.vector_store %arg8[%swap3A_53, %swap3A_54], %swap3A_57 {strides = array<i32>} : memref<16x256xf32, #tpu.memory_space<vmem>>, vector<1x16xf32>,
      %swap3A_58 = arith.index_cast %add3A_27 : i32 to index
      %swap3A_59 = arith.constant 96 : index
      %swap3A_60 = tpu.vector_load %arg8[%swap3A_58, %swap3A_59] {strides = array<i32>} : memref<16x256xf32, #tpu.memory_space<vmem>>, vector<1x16xf32>,
      %swap3A_61 = vector.shape_cast %swap3A_60 : vector<1x16xf32> to vector<16xf32>
      %swap3A_62 = vector.shape_cast %broadcast_in_dim3A_10 : vector<16xf32> to vector<1x16xf32>
      tpu.vector_store %arg8[%swap3A_58, %swap3A_59], %swap3A_62 {strides = array<i32>} : memref<16x256xf32, #tpu.memory_space<vmem>>, vector<1x16xf32>,
      %swap3A_63 = arith.index_cast %add3A_27 : i32 to index
      %swap3A_64 = arith.constant 112 : index
      %swap3A_65 = tpu.vector_load %arg8[%swap3A_63, %swap3A_64] {strides = array<i32>} : memref<16x256xf32, #tpu.memory_space<vmem>>, vector<1x16xf32>,
      %swap3A_66 = vector.shape_cast %swap3A_65 : vector<1x16xf32> to vector<16xf32>
      %swap3A_67 = vector.shape_cast %broadcast_in_dim3A_10 : vector<16xf32> to vector<1x16xf32>
      tpu.vector_store %arg8[%swap3A_63, %swap3A_64], %swap3A_67 {strides = array<i32>} : memref<16x256xf32, #tpu.memory_space<vmem>>, vector<1x16xf32>,
      %swap3A_68 = arith.index_cast %add3A_27 : i32 to index
      %swap3A_69 = arith.constant 128 : index
      %swap3A_70 = tpu.vector_load %arg8[%swap3A_68, %swap3A_69] {strides = array<i32>} : memref<16x256xf32, #tpu.memory_space<vmem>>, vector<1x16xf32>,
      %swap3A_71 = vector.shape_cast %swap3A_70 : vector<1x16xf32> to vector<16xf32>
      %swap3A_72 = vector.shape_cast %broadcast_in_dim3A_10 : vector<16xf32> to vector<1x16xf32>
      tpu.vector_store %arg8[%swap3A_68, %swap3A_69], %swap3A_72 {strides = array<i32>} : memref<16x256xf32, #tpu.memory_space<vmem>>, vector<1x16xf32>,
      %swap3A_73 = arith.index_cast %add3A_27 : i32 to index
      %swap3A_74 = arith.constant 144 : index
      %swap3A_75 = tpu.vector_load %arg8[%swap3A_73, %swap3A_74] {strides = array<i32>} : memref<16x256xf32, #tpu.memory_space<vmem>>, vector<1x16xf32>,
      %swap3A_76 = vector.shape_cast %swap3A_75 : vector<1x16xf32> to vector<16xf32>
      %swap3A_77 = vector.shape_cast %broadcast_in_dim3A_10 : vector<16xf32> to vector<1x16xf32>
      tpu.vector_store %arg8[%swap3A_73, %swap3A_74], %swap3A_77 {strides = array<i32>} : memref<16x256xf32, #tpu.memory_space<vmem>>, vector<1x16xf32>,
      %swap3A_78 = arith.index_cast %add3A_27 : i32 to index
      %swap3A_79 = arith.constant 160 : index
      %swap3A_80 = tpu.vector_load %arg8[%swap3A_78, %swap3A_79] {strides = array<i32>} : memref<16x256xf32, #tpu.memory_space<vmem>>, vector<1x16xf32>,
      %swap3A_81 = vector.shape_cast %swap3A_80 : vector<1x16xf32> to vector<16xf32>
      %swap3A_82 = vector.shape_cast %broadcast_in_dim3A_10 : vector<16xf32> to vector<1x16xf32>
      tpu.vector_store %arg8[%swap3A_78, %swap3A_79], %swap3A_82 {strides = array<i32>} : memref<16x256xf32, #tpu.memory_space<vmem>>, vector<1x16xf32>,
      %swap3A_83 = arith.index_cast %add3A_27 : i32 to index
      %swap3A_84 = arith.constant 176 : index
      %swap3A_85 = tpu.vector_load %arg8[%swap3A_83, %swap3A_84] {strides = array<i32>} : memref<16x256xf32, #tpu.memory_space<vmem>>, vector<1x16xf32>,
      %swap3A_86 = vector.shape_cast %swap3A_85 : vector<1x16xf32> to vector<16xf32>
      %swap3A_87 = vector.shape_cast %broadcast_in_dim3A_10 : vector<16xf32> to vector<1x16xf32>
      tpu.vector_store %arg8[%swap3A_83, %swap3A_84], %swap3A_87 {strides = array<i32>} : memref<16x256xf32, #tpu.memory_space<vmem>>, vector<1x16xf32>,
      %swap3A_88 = arith.index_cast %add3A_27 : i32 to index
      %swap3A_89 = arith.constant 192 : index
      %swap3A_90 = tpu.vector_load %arg8[%swap3A_88, %swap3A_89] {strides = array<i32>} : memref<16x256xf32, #tpu.memory_space<vmem>>, vector<1x16xf32>,
      %swap3A_91 = vector.shape_cast %swap3A_90 : vector<1x16xf32> to vector<16xf32>
      %swap3A_92 = vector.shape_cast %broadcast_in_dim3A_10 : vector<16xf32> to vector<1x16xf32>
      tpu.vector_store %arg8[%swap3A_88, %swap3A_89], %swap3A_92 {strides = array<i32>} : memref<16x256xf32, #tpu.memory_space<vmem>>, vector<1x16xf32>,
      %swap3A_93 = arith.index_cast %add3A_27 : i32 to index
      %swap3A_94 = arith.constant 208 : index
      %swap3A_95 = tpu.vector_load %arg8[%swap3A_93, %swap3A_94] {strides = array<i32>} : memref<16x256xf32, #tpu.memory_space<vmem>>, vector<1x16xf32>,
      %swap3A_96 = vector.shape_cast %swap3A_95 : vector<1x16xf32> to vector<16xf32>
      %swap3A_97 = vector.shape_cast %broadcast_in_dim3A_10 : vector<16xf32> to vector<1x16xf32>
      tpu.vector_store %arg8[%swap3A_93, %swap3A_94], %swap3A_97 {strides = array<i32>} : memref<16x256xf32, #tpu.memory_space<vmem>>, vector<1x16xf32>,
      %swap3A_98 = arith.index_cast %add3A_27 : i32 to index
      %swap3A_99 = arith.constant 224 : index
      %swap3A_100 = tpu.vector_load %arg8[%swap3A_98, %swap3A_99] {strides = array<i32>} : memref<16x256xf32, #tpu.memory_space<vmem>>, vector<1x16xf32>,
      %swap3A_101 = vector.shape_cast %swap3A_100 : vector<1x16xf32> to vector<16xf32>
      %swap3A_102 = vector.shape_cast %broadcast_in_dim3A_10 : vector<16xf32> to vector<1x16xf32>
      tpu.vector_store %arg8[%swap3A_98, %swap3A_99], %swap3A_102 {strides = array<i32>} : memref<16x256xf32, #tpu.memory_space<vmem>>, vector<1x16xf32>,
      %swap3A_103 = arith.index_cast %add3A_27 : i32 to index
      %swap3A_104 = arith.constant 240 : index
      %swap3A_105 = tpu.vector_load %arg8[%swap3A_103, %swap3A_104] {strides = array<i32>} : memref<16x256xf32, #tpu.memory_space<vmem>>, vector<1x16xf32>,
      %swap3A_106 = vector.shape_cast %swap3A_105 : vector<1x16xf32> to vector<16xf32>
      %swap3A_107 = vector.shape_cast %broadcast_in_dim3A_10 : vector<16xf32> to vector<1x16xf32>
      tpu.vector_store %arg8[%swap3A_103, %swap3A_104], %swap3A_107 {strides = array<i32>} : memref<16x256xf32, #tpu.memory_space<vmem>>, vector<1x16xf32>,
    }
    %scan3A_14 = arith.constant 16 : i32
    %dma_start3A = arith.constant 0 : i32
    %dma_start3A_15 = tpu.memref_slice %arg2[%add3A_4, %dma_start3A] : memref<32768x256xf32, #tpu.memory_space<hbm>> -> memref<64x256xf32, #tpu.memory_space<hbm>>
    %dma_start3A_16 = arith.constant 0 : i32
    %dma_start3A_17 = tpu.memref_slice %arg2[%add3A_4, %dma_start3A_16] : memref<32768x256xf32, #tpu.memory_space<hbm>> -> memref<64x256xf32, #tpu.memory_space<hbm>>
    tpu.enqueue_dma source(%dma_start3A_17 : memref<64x256xf32, #tpu.memory_space<hbm>>) target(%arg6 : memref<64x256xf32, #tpu.memory_space<vmem>>) target_semaphore(%arg9 : memref<!tpu.dma_semaphore, #tpu.memory_space<semaphore_mem>>)
    %scan3A_18 = arith.constant 0 : i32
    %scan3A_19 = arith.constant 4 : i32
    %scan3A_20 = arith.addi %scan3A_18, %scan3A_19 : i32
    %scan3A_21 = arith.constant 1 : i32
    scf.for %scan3A_23 = %scan3A_18 to %scan3A_20 step %scan3A_21  : i32 {
      %mul3A_24 = arith.constant 2 : i32
      %mul3A_25 = arith.muli %scan3A_23, %mul3A_24 : i32
      %add3A_26 = arith.constant 0 : i32
      %add3A_27 = arith.addi %add3A_26, %mul3A_25 : i32
      %add3A_28 = arith.constant 0 : i32
      %add3A_29 = arith.addi %add3A_27, %add3A_28 : i32
      %lt3A = arith.constant 7 : i32
      %lt3A_30 = arith.cmpi slt, %add3A_29, %lt3A : i32
      %convert_element_type3A = arith.extui %lt3A_30 : i1 to i32
      %cond3A = arith.constant 0 : i32
      %cond3A_31 = arith.cmpi ne, %convert_element_type3A, %cond3A : i32
      scf.if %cond3A_31 {
        %add3A_39 = arith.constant 1 : i32
        %add3A_40 = arith.addi %add3A_29, %add3A_39 : i32
        %lt3A_41 = arith.constant 7 : i32
        %lt3A_42 = arith.cmpi slt, %add3A_40, %lt3A_41 : i32
        %convert_element_type3A_43 = arith.extui %lt3A_42 : i1 to i32
        %cond3A_44 = arith.constant 0 : i32
        %cond3A_45 = arith.cmpi ne, %convert_element_type3A_43, %cond3A_44 : i32
        scf.if %cond3A_45 {
          %add3A_59 = arith.constant 1 : i32
          %add3A_60 = arith.addi %add3A_29, %add3A_59 : i32
          %mul3A_61 = arith.constant 64 : i32
          %mul3A_62 = arith.muli %add3A_60, %mul3A_61 : i32
          %add3A_63 = arith.addi %add3A_4, %mul3A_62 : i32
          %dma_start3A_64 = arith.constant 0 : i32
          %dma_start3A_65 = tpu.memref_slice %arg2[%add3A_63, %dma_start3A_64] : memref<32768x256xf32, #tpu.memory_space<hbm>> -> memref<64x256xf32, #tpu.memory_space<hbm>>
          %dma_start3A_66 = arith.constant 0 : i32
          %dma_start3A_67 = tpu.memref_slice %arg2[%add3A_63, %dma_start3A_66] : memref<32768x256xf32, #tpu.memory_space<hbm>> -> memref<64x256xf32, #tpu.memory_space<hbm>>
          tpu.enqueue_dma source(%dma_start3A_67 : memref<64x256xf32, #tpu.memory_space<hbm>>) target(%arg7 : memref<64x256xf32, #tpu.memory_space<vmem>>) target_semaphore(%arg10 : memref<!tpu.dma_semaphore, #tpu.memory_space<semaphore_mem>>)
        } else {
        }
        %dma_wait3A = arith.constant 0 : i32
        %dma_wait3A_46 = arith.constant 0 : i32
        %dma_wait3A_47 = tpu.memref_slice %arg2[%dma_wait3A, %dma_wait3A_46] : memref<32768x256xf32, #tpu.memory_space<hbm>> -> memref<64x256xf32, #tpu.memory_space<hbm>>
        %dma_wait3A_48 = arith.constant 0 : i32
        %dma_wait3A_49 = arith.constant 0 : i32
        %dma_wait3A_50 = tpu.memref_slice %arg2[%dma_wait3A_48, %dma_wait3A_49] : memref<32768x256xf32, #tpu.memory_space<hbm>> -> memref<64x256xf32, #tpu.memory_space<hbm>>
        tpu.wait_dma2 semaphore(%arg9 : memref<!tpu.dma_semaphore, #tpu.memory_space<semaphore_mem>>) src(%dma_wait3A_50 : memref<64x256xf32, #tpu.memory_space<hbm>>) dst(%arg6 : memref<64x256xf32, #tpu.memory_space<vmem>>)
        %mul3A_51 = arith.constant 64 : i32
        %mul3A_52 = arith.muli %add3A_29, %mul3A_51 : i32
        %add3A_53 = arith.addi %add3A_4, %mul3A_52 : i32
        %scan3A_54 = arith.constant 0 : i32
        %scan3A_55 = arith.constant 16 : i32
        %scan3A_56 = arith.addi %scan3A_54, %scan3A_55 : i32
        %scan3A_57 = arith.constant 1 : i32
        scf.for %scan3A_59 = %scan3A_54 to %scan3A_56 step %scan3A_57  : i32 {
          %mul3A_60 = arith.constant 1 : i32
          %mul3A_61 = arith.muli %scan3A_59, %mul3A_60 : i32
          %add3A_62 = arith.constant 0 : i32
          %add3A_63 = arith.addi %add3A_62, %mul3A_61 : i32
          %get3A = arith.index_cast %add3A_63 : i32 to index
          %get3A_64 = tpu.vector_load %arg5[%get3A] {strides = array<i32>} : memref<32xi32, #tpu.memory_space<vmem>>, vector<16xi32>,
          %get3A_65 = vector.shape_cast %get3A_64 : vector<16xi32> to vector<16xi32>
          %slice3A = vector.extract_strided_slice %get3A_65 {offsets = [0], sizes = [1], strides = [1]} : vector<16xi32> to vector<1xi32>
          %squeeze3A = vector.extract %slice3A[0] : i32 from vector<1xi32>
          %max3A = arith.maxsi %squeeze3A, %add3A_53 : i32
          %sub3A = arith.subi %max3A, %add3A_53 : i32
          %add3A_66 = arith.constant 1 : i32
          %add3A_67 = arith.addi %add3A_63, %add3A_66 : i32
          %get3A_68 = arith.index_cast %add3A_67 : i32 to index
          %get3A_69 = tpu.vector_load %arg5[%get3A_68] {strides = array<i32>} : memref<32xi32, #tpu.memory_space<vmem>>, vector<16xi32>,
          %get3A_70 = vector.shape_cast %get3A_69 : vector<16xi32> to vector<16xi32>
          %slice3A_71 = vector.extract_strided_slice %get3A_70 {offsets = [0], sizes = [1], strides = [1]} : vector<16xi32> to vector<1xi32>
          %squeeze3A_72 = vector.extract %slice3A_71[0] : i32 from vector<1xi32>
          %add3A_73 = arith.constant 64 : i32
          %add3A_74 = arith.addi %add3A_53, %add3A_73 : i32
          %min3A = arith.minsi %squeeze3A_72, %add3A_74 : i32
          %sub3A_75 = arith.subi %min3A, %add3A_53 : i32
          %gt3A = arith.cmpi sgt, %sub3A_75, %sub3A : i32
          %convert_element_type3A_76 = arith.extui %gt3A : i1 to i32
          %cond3A_77 = arith.constant 0 : i32
          %cond3A_78 = arith.cmpi ne, %convert_element_type3A_76, %cond3A_77 : i32
          scf.if %cond3A_78 {
            %get3A_79 = arith.index_cast %add3A_63 : i32 to index
            %get3A_80 = arith.constant 0 : index
            %get3A_81 = tpu.vector_load %arg8[%get3A_79, %get3A_80] {strides = array<i32>} : memref<16x256xf32, #tpu.memory_space<vmem>>, vector<1x16xf32>,
            %get3A_82 = vector.shape_cast %get3A_81 : vector<1x16xf32> to vector<16xf32>
            %get3A_83 = arith.index_cast %add3A_63 : i32 to index
            %get3A_84 = arith.constant 16 : index
            %get3A_85 = tpu.vector_load %arg8[%get3A_83, %get3A_84] {strides = array<i32>} : memref<16x256xf32, #tpu.memory_space<vmem>>, vector<1x16xf32>,
            %get3A_86 = vector.shape_cast %get3A_85 : vector<1x16xf32> to vector<16xf32>
            %get3A_87 = arith.index_cast %add3A_63 : i32 to index
            %get3A_88 = arith.constant 32 : index
            %get3A_89 = tpu.vector_load %arg8[%get3A_87, %get3A_88] {strides = array<i32>} : memref<16x256xf32, #tpu.memory_space<vmem>>, vector<1x16xf32>,
            %get3A_90 = vector.shape_cast %get3A_89 : vector<1x16xf32> to vector<16xf32>
            %get3A_91 = arith.index_cast %add3A_63 : i32 to index
            %get3A_92 = arith.constant 48 : index
            %get3A_93 = tpu.vector_load %arg8[%get3A_91, %get3A_92] {strides = array<i32>} : memref<16x256xf32, #tpu.memory_space<vmem>>, vector<1x16xf32>,
            %get3A_94 = vector.shape_cast %get3A_93 : vector<1x16xf32> to vector<16xf32>
            %get3A_95 = arith.index_cast %add3A_63 : i32 to index
            %get3A_96 = arith.constant 64 : index
            %get3A_97 = tpu.vector_load %arg8[%get3A_95, %get3A_96] {strides = array<i32>} : memref<16x256xf32, #tpu.memory_space<vmem>>, vector<1x16xf32>,
            %get3A_98 = vector.shape_cast %get3A_97 : vector<1x16xf32> to vector<16xf32>
            %get3A_99 = arith.index_cast %add3A_63 : i32 to index
            %get3A_100 = arith.constant 80 : index
            %get3A_101 = tpu.vector_load %arg8[%get3A_99, %get3A_100] {strides = array<i32>} : memref<16x256xf32, #tpu.memory_space<vmem>>, vector<1x16xf32>,
            %get3A_102 = vector.shape_cast %get3A_101 : vector<1x16xf32> to vector<16xf32>
            %get3A_103 = arith.index_cast %add3A_63 : i32 to index
            %get3A_104 = arith.constant 96 : index
            %get3A_105 = tpu.vector_load %arg8[%get3A_103, %get3A_104] {strides = array<i32>} : memref<16x256xf32, #tpu.memory_space<vmem>>, vector<1x16xf32>,
            %get3A_106 = vector.shape_cast %get3A_105 : vector<1x16xf32> to vector<16xf32>
            %get3A_107 = arith.index_cast %add3A_63 : i32 to index
            %get3A_108 = arith.constant 112 : index
            %get3A_109 = tpu.vector_load %arg8[%get3A_107, %get3A_108] {strides = array<i32>} : memref<16x256xf32, #tpu.memory_space<vmem>>, vector<1x16xf32>,
            %get3A_110 = vector.shape_cast %get3A_109 : vector<1x16xf32> to vector<16xf32>
            %get3A_111 = arith.index_cast %add3A_63 : i32 to index
            %get3A_112 = arith.constant 128 : index
            %get3A_113 = tpu.vector_load %arg8[%get3A_111, %get3A_112] {strides = array<i32>} : memref<16x256xf32, #tpu.memory_space<vmem>>, vector<1x16xf32>,
            %get3A_114 = vector.shape_cast %get3A_113 : vector<1x16xf32> to vector<16xf32>
            %get3A_115 = arith.index_cast %add3A_63 : i32 to index
            %get3A_116 = arith.constant 144 : index
            %get3A_117 = tpu.vector_load %arg8[%get3A_115, %get3A_116] {strides = array<i32>} : memref<16x256xf32, #tpu.memory_space<vmem>>, vector<1x16xf32>,
            %get3A_118 = vector.shape_cast %get3A_117 : vector<1x16xf32> to vector<16xf32>
            %get3A_119 = arith.index_cast %add3A_63 : i32 to index
            %get3A_120 = arith.constant 160 : index
            %get3A_121 = tpu.vector_load %arg8[%get3A_119, %get3A_120] {strides = array<i32>} : memref<16x256xf32, #tpu.memory_space<vmem>>, vector<1x16xf32>,
            %get3A_122 = vector.shape_cast %get3A_121 : vector<1x16xf32> to vector<16xf32>
            %get3A_123 = arith.index_cast %add3A_63 : i32 to index
            %get3A_124 = arith.constant 176 : index
            %get3A_125 = tpu.vector_load %arg8[%get3A_123, %get3A_124] {strides = array<i32>} : memref<16x256xf32, #tpu.memory_space<vmem>>, vector<1x16xf32>,
            %get3A_126 = vector.shape_cast %get3A_125 : vector<1x16xf32> to vector<16xf32>
            %get3A_127 = arith.index_cast %add3A_63 : i32 to index
            %get3A_128 = arith.constant 192 : index
            %get3A_129 = tpu.vector_load %arg8[%get3A_127, %get3A_128] {strides = array<i32>} : memref<16x256xf32, #tpu.memory_space<vmem>>, vector<1x16xf32>,
            %get3A_130 = vector.shape_cast %get3A_129 : vector<1x16xf32> to vector<16xf32>
            %get3A_131 = arith.index_cast %add3A_63 : i32 to index
            %get3A_132 = arith.constant 208 : index
            %get3A_133 = tpu.vector_load %arg8[%get3A_131, %get3A_132] {strides = array<i32>} : memref<16x256xf32, #tpu.memory_space<vmem>>, vector<1x16xf32>,
            %get3A_134 = vector.shape_cast %get3A_133 : vector<1x16xf32> to vector<16xf32>
            %get3A_135 = arith.index_cast %add3A_63 : i32 to index
            %get3A_136 = arith.constant 224 : index
            %get3A_137 = tpu.vector_load %arg8[%get3A_135, %get3A_136] {strides = array<i32>} : memref<16x256xf32, #tpu.memory_space<vmem>>, vector<1x16xf32>,
            %get3A_138 = vector.shape_cast %get3A_137 : vector<1x16xf32> to vector<16xf32>
            %get3A_139 = arith.index_cast %add3A_63 : i32 to index
            %get3A_140 = arith.constant 240 : index
            %get3A_141 = tpu.vector_load %arg8[%get3A_139, %get3A_140] {strides = array<i32>} : memref<16x256xf32, #tpu.memory_space<vmem>>, vector<1x16xf32>,
            %get3A_142 = vector.shape_cast %get3A_141 : vector<1x16xf32> to vector<16xf32>
            %sub3A_143 = arith.subi %sub3A_75, %sub3A : i32
            %sub3A_144 = arith.constant 1 : i32
            %sub3A_145 = arith.constant 1 : i32
            %sub3A_146 = arith.subi %sub3A_144, %sub3A_145 : i32
            %add3A_147 = arith.addi %sub3A_143, %sub3A_146 : i32
            %div3A = arith.constant 1 : i32
            %div3A_148 = arith.divsi %add3A_147, %div3A : i32
            %while3A = arith.constant 1 : i32
            %while3A_149 = arith.constant 0 : i32
            %while3A_150 = arith.subi %div3A_148, %while3A_149 : i32
            %while3A_151 = arith.addi %while3A_149, %while3A_150 : i32
            %while3A_152 = arith.constant 1 : i32
            %while3A_153 = arith.divsi %while3A_150, %while3A_152 : i32
            %while3A_154 = arith.muli %while3A_153, %while3A_152 : i32
            %while3A_155 = arith.addi %while3A_149, %while3A_154 : i32
            %while3A_156 = arith.constant 1 : i32
            %while3A_157:16 = scf.for %while3A_240 = %while3A_149 to %while3A_155 step %while3A_156 iter_args(%while3A_241 = %get3A_82, %while3A_242 = %get3A_86, %while3A_243 = %get3A_90, %while3A_244 = %get3A_94, %while3A_245 = %get3A_98, %while3A_246 = %get3A_102, %while3A_247 = %get3A_106, %while3A_248 = %get3A_110, %while3A_249 = %get3A_114, %while3A_250 = %get3A_118, %while3A_251 = %get3A_122, %while3A_252 = %get3A_126, %while3A_253 = %get3A_130, %while3A_254 = %get3A_134, %while3A_255 = %get3A_138, %while3A_256 = %get3A_142) -> (vector<16xf32>, vector<16xf32>, vector<16xf32>, vector<16xf32>, vector<16xf32>, vector<16xf32>, vector<16xf32>, vector<16xf32>, vector<16xf32>, vector<16xf32>, vector<16xf32>, vector<16xf32>, vector<16xf32>, vector<16xf32>, vector<16xf32>, vector<16xf32>)  : i32 {
              %mul3A_257 = arith.muli %while3A_240, %while3A : i32
              %add3A_258 = arith.addi %sub3A, %mul3A_257 : i32
              %get3A_259 = arith.index_cast %add3A_258 : i32 to index
              %get3A_260 = arith.constant 0 : index
              %get3A_261 = tpu.vector_load %arg6[%get3A_259, %get3A_260] {strides = array<i32>} : memref<64x256xf32, #tpu.memory_space<vmem>>, vector<1x16xf32>,
              %get3A_262 = vector.shape_cast %get3A_261 : vector<1x16xf32> to vector<16xf32>
              %add3A_263 = arith.addf %while3A_241, %get3A_262 : vector<16xf32>
              %get3A_264 = arith.index_cast %add3A_258 : i32 to index
              %get3A_265 = arith.constant 16 : index
              %get3A_266 = tpu.vector_load %arg6[%get3A_264, %get3A_265] {strides = array<i32>} : memref<64x256xf32, #tpu.memory_space<vmem>>, vector<1x16xf32>,
              %get3A_267 = vector.shape_cast %get3A_266 : vector<1x16xf32> to vector<16xf32>
              %add3A_268 = arith.addf %while3A_242, %get3A_267 : vector<16xf32>
              %get3A_269 = arith.index_cast %add3A_258 : i32 to index
              %get3A_270 = arith.constant 32 : index
              %get3A_271 = tpu.vector_load %arg6[%get3A_269, %get3A_270] {strides = array<i32>} : memref<64x256xf32, #tpu.memory_space<vmem>>, vector<1x16xf32>,
              %get3A_272 = vector.shape_cast %get3A_271 : vector<1x16xf32> to vector<16xf32>
              %add3A_273 = arith.addf %while3A_243, %get3A_272 : vector<16xf32>
              %get3A_274 = arith.index_cast %add3A_258 : i32 to index
              %get3A_275 = arith.constant 48 : index
              %get3A_276 = tpu.vector_load %arg6[%get3A_274, %get3A_275] {strides = array<i32>} : memref<64x256xf32, #tpu.memory_space<vmem>>, vector<1x16xf32>,
              %get3A_277 = vector.shape_cast %get3A_276 : vector<1x16xf32> to vector<16xf32>
              %add3A_278 = arith.addf %while3A_244, %get3A_277 : vector<16xf32>
              %get3A_279 = arith.index_cast %add3A_258 : i32 to index
              %get3A_280 = arith.constant 64 : index
              %get3A_281 = tpu.vector_load %arg6[%get3A_279, %get3A_280] {strides = array<i32>} : memref<64x256xf32, #tpu.memory_space<vmem>>, vector<1x16xf32>,
              %get3A_282 = vector.shape_cast %get3A_281 : vector<1x16xf32> to vector<16xf32>
              %add3A_283 = arith.addf %while3A_245, %get3A_282 : vector<16xf32>
              %get3A_284 = arith.index_cast %add3A_258 : i32 to index
              %get3A_285 = arith.constant 80 : index
              %get3A_286 = tpu.vector_load %arg6[%get3A_284, %get3A_285] {strides = array<i32>} : memref<64x256xf32, #tpu.memory_space<vmem>>, vector<1x16xf32>,
              %get3A_287 = vector.shape_cast %get3A_286 : vector<1x16xf32> to vector<16xf32>
              %add3A_288 = arith.addf %while3A_246, %get3A_287 : vector<16xf32>
              %get3A_289 = arith.index_cast %add3A_258 : i32 to index
              %get3A_290 = arith.constant 96 : index
              %get3A_291 = tpu.vector_load %arg6[%get3A_289, %get3A_290] {strides = array<i32>} : memref<64x256xf32, #tpu.memory_space<vmem>>, vector<1x16xf32>,
              %get3A_292 = vector.shape_cast %get3A_291 : vector<1x16xf32> to vector<16xf32>
              %add3A_293 = arith.addf %while3A_247, %get3A_292 : vector<16xf32>
              %get3A_294 = arith.index_cast %add3A_258 : i32 to index
              %get3A_295 = arith.constant 112 : index
              %get3A_296 = tpu.vector_load %arg6[%get3A_294, %get3A_295] {strides = array<i32>} : memref<64x256xf32, #tpu.memory_space<vmem>>, vector<1x16xf32>,
              %get3A_297 = vector.shape_cast %get3A_296 : vector<1x16xf32> to vector<16xf32>
              %add3A_298 = arith.addf %while3A_248, %get3A_297 : vector<16xf32>
              %get3A_299 = arith.index_cast %add3A_258 : i32 to index
              %get3A_300 = arith.constant 128 : index
              %get3A_301 = tpu.vector_load %arg6[%get3A_299, %get3A_300] {strides = array<i32>} : memref<64x256xf32, #tpu.memory_space<vmem>>, vector<1x16xf32>,
              %get3A_302 = vector.shape_cast %get3A_301 : vector<1x16xf32> to vector<16xf32>
              %add3A_303 = arith.addf %while3A_249, %get3A_302 : vector<16xf32>
              %get3A_304 = arith.index_cast %add3A_258 : i32 to index
              %get3A_305 = arith.constant 144 : index
              %get3A_306 = tpu.vector_load %arg6[%get3A_304, %get3A_305] {strides = array<i32>} : memref<64x256xf32, #tpu.memory_space<vmem>>, vector<1x16xf32>,
              %get3A_307 = vector.shape_cast %get3A_306 : vector<1x16xf32> to vector<16xf32>
              %add3A_308 = arith.addf %while3A_250, %get3A_307 : vector<16xf32>
              %get3A_309 = arith.index_cast %add3A_258 : i32 to index
              %get3A_310 = arith.constant 160 : index
              %get3A_311 = tpu.vector_load %arg6[%get3A_309, %get3A_310] {strides = array<i32>} : memref<64x256xf32, #tpu.memory_space<vmem>>, vector<1x16xf32>,
              %get3A_312 = vector.shape_cast %get3A_311 : vector<1x16xf32> to vector<16xf32>
              %add3A_313 = arith.addf %while3A_251, %get3A_312 : vector<16xf32>
              %get3A_314 = arith.index_cast %add3A_258 : i32 to index
              %get3A_315 = arith.constant 176 : index
              %get3A_316 = tpu.vector_load %arg6[%get3A_314, %get3A_315] {strides = array<i32>} : memref<64x256xf32, #tpu.memory_space<vmem>>, vector<1x16xf32>,
              %get3A_317 = vector.shape_cast %get3A_316 : vector<1x16xf32> to vector<16xf32>
              %add3A_318 = arith.addf %while3A_252, %get3A_317 : vector<16xf32>
              %get3A_319 = arith.index_cast %add3A_258 : i32 to index
              %get3A_320 = arith.constant 192 : index
              %get3A_321 = tpu.vector_load %arg6[%get3A_319, %get3A_320] {strides = array<i32>} : memref<64x256xf32, #tpu.memory_space<vmem>>, vector<1x16xf32>,
              %get3A_322 = vector.shape_cast %get3A_321 : vector<1x16xf32> to vector<16xf32>
              %add3A_323 = arith.addf %while3A_253, %get3A_322 : vector<16xf32>
              %get3A_324 = arith.index_cast %add3A_258 : i32 to index
              %get3A_325 = arith.constant 208 : index
              %get3A_326 = tpu.vector_load %arg6[%get3A_324, %get3A_325] {strides = array<i32>} : memref<64x256xf32, #tpu.memory_space<vmem>>, vector<1x16xf32>,
              %get3A_327 = vector.shape_cast %get3A_326 : vector<1x16xf32> to vector<16xf32>
              %add3A_328 = arith.addf %while3A_254, %get3A_327 : vector<16xf32>
              %get3A_329 = arith.index_cast %add3A_258 : i32 to index
              %get3A_330 = arith.constant 224 : index
              %get3A_331 = tpu.vector_load %arg6[%get3A_329, %get3A_330] {strides = array<i32>} : memref<64x256xf32, #tpu.memory_space<vmem>>, vector<1x16xf32>,
              %get3A_332 = vector.shape_cast %get3A_331 : vector<1x16xf32> to vector<16xf32>
              %add3A_333 = arith.addf %while3A_255, %get3A_332 : vector<16xf32>
              %get3A_334 = arith.index_cast %add3A_258 : i32 to index
              %get3A_335 = arith.constant 240 : index
              %get3A_336 = tpu.vector_load %arg6[%get3A_334, %get3A_335] {strides = array<i32>} : memref<64x256xf32, #tpu.memory_space<vmem>>, vector<1x16xf32>,
              %get3A_337 = vector.shape_cast %get3A_336 : vector<1x16xf32> to vector<16xf32>
              %add3A_338 = arith.addf %while3A_256, %get3A_337 : vector<16xf32>
              scf.yield %add3A_263, %add3A_268, %add3A_273, %add3A_278, %add3A_283, %add3A_288, %add3A_293, %add3A_298, %add3A_303, %add3A_308, %add3A_313, %add3A_318, %add3A_323, %add3A_328, %add3A_333, %add3A_338 : vector<16xf32>, vector<16xf32>, vector<16xf32>, vector<16xf32>, vector<16xf32>, vector<16xf32>, vector<16xf32>, vector<16xf32>, vector<16xf32>, vector<16xf32>, vector<16xf32>, vector<16xf32>, vector<16xf32>, vector<16xf32>, vector<16xf32>, vector<16xf32>
            }
            %while3A_158 = arith.constant 1 : i32
            %while3A_159:16 = scf.for %while3A_240 = %while3A_155 to %while3A_151 step %while3A_158 iter_args(%while3A_241 = %while3A_157#0, %while3A_242 = %while3A_157#1, %while3A_243 = %while3A_157#2, %while3A_244 = %while3A_157#3, %while3A_245 = %while3A_157#4, %while3A_246 = %while3A_157#5, %while3A_247 = %while3A_157#6, %while3A_248 = %while3A_157#7, %while3A_249 = %while3A_157#8, %while3A_250 = %while3A_157#9, %while3A_251 = %while3A_157#10, %while3A_252 = %while3A_157#11, %while3A_253 = %while3A_157#12, %while3A_254 = %while3A_157#13, %while3A_255 = %while3A_157#14, %while3A_256 = %while3A_157#15) -> (vector<16xf32>, vector<16xf32>, vector<16xf32>, vector<16xf32>, vector<16xf32>, vector<16xf32>, vector<16xf32>, vector<16xf32>, vector<16xf32>, vector<16xf32>, vector<16xf32>, vector<16xf32>, vector<16xf32>, vector<16xf32>, vector<16xf32>, vector<16xf32>)  : i32 {
              %mul3A_257 = arith.muli %while3A_240, %while3A : i32
              %add3A_258 = arith.addi %sub3A, %mul3A_257 : i32
              %get3A_259 = arith.index_cast %add3A_258 : i32 to index
              %get3A_260 = arith.constant 0 : index
              %get3A_261 = tpu.vector_load %arg6[%get3A_259, %get3A_260] {strides = array<i32>} : memref<64x256xf32, #tpu.memory_space<vmem>>, vector<1x16xf32>,
              %get3A_262 = vector.shape_cast %get3A_261 : vector<1x16xf32> to vector<16xf32>
              %add3A_263 = arith.addf %while3A_241, %get3A_262 : vector<16xf32>
              %get3A_264 = arith.index_cast %add3A_258 : i32 to index
              %get3A_265 = arith.constant 16 : index
              %get3A_266 = tpu.vector_load %arg6[%get3A_264, %get3A_265] {strides = array<i32>} : memref<64x256xf32, #tpu.memory_space<vmem>>, vector<1x16xf32>,
              %get3A_267 = vector.shape_cast %get3A_266 : vector<1x16xf32> to vector<16xf32>
              %add3A_268 = arith.addf %while3A_242, %get3A_267 : vector<16xf32>
              %get3A_269 = arith.index_cast %add3A_258 : i32 to index
              %get3A_270 = arith.constant 32 : index
              %get3A_271 = tpu.vector_load %arg6[%get3A_269, %get3A_270] {strides = array<i32>} : memref<64x256xf32, #tpu.memory_space<vmem>>, vector<1x16xf32>,
              %get3A_272 = vector.shape_cast %get3A_271 : vector<1x16xf32> to vector<16xf32>
              %add3A_273 = arith.addf %while3A_243, %get3A_272 : vector<16xf32>
              %get3A_274 = arith.index_cast %add3A_258 : i32 to index
              %get3A_275 = arith.constant 48 : index
              %get3A_276 = tpu.vector_load %arg6[%get3A_274, %get3A_275] {strides = array<i32>} : memref<64x256xf32, #tpu.memory_space<vmem>>, vector<1x16xf32>,
              %get3A_277 = vector.shape_cast %get3A_276 : vector<1x16xf32> to vector<16xf32>
              %add3A_278 = arith.addf %while3A_244, %get3A_277 : vector<16xf32>
              %get3A_279 = arith.index_cast %add3A_258 : i32 to index
              %get3A_280 = arith.constant 64 : index
              %get3A_281 = tpu.vector_load %arg6[%get3A_279, %get3A_280] {strides = array<i32>} : memref<64x256xf32, #tpu.memory_space<vmem>>, vector<1x16xf32>,
              %get3A_282 = vector.shape_cast %get3A_281 : vector<1x16xf32> to vector<16xf32>
              %add3A_283 = arith.addf %while3A_245, %get3A_282 : vector<16xf32>
              %get3A_284 = arith.index_cast %add3A_258 : i32 to index
              %get3A_285 = arith.constant 80 : index
              %get3A_286 = tpu.vector_load %arg6[%get3A_284, %get3A_285] {strides = array<i32>} : memref<64x256xf32, #tpu.memory_space<vmem>>, vector<1x16xf32>,
              %get3A_287 = vector.shape_cast %get3A_286 : vector<1x16xf32> to vector<16xf32>
              %add3A_288 = arith.addf %while3A_246, %get3A_287 : vector<16xf32>
              %get3A_289 = arith.index_cast %add3A_258 : i32 to index
              %get3A_290 = arith.constant 96 : index
              %get3A_291 = tpu.vector_load %arg6[%get3A_289, %get3A_290] {strides = array<i32>} : memref<64x256xf32, #tpu.memory_space<vmem>>, vector<1x16xf32>,
              %get3A_292 = vector.shape_cast %get3A_291 : vector<1x16xf32> to vector<16xf32>
              %add3A_293 = arith.addf %while3A_247, %get3A_292 : vector<16xf32>
              %get3A_294 = arith.index_cast %add3A_258 : i32 to index
              %get3A_295 = arith.constant 112 : index
              %get3A_296 = tpu.vector_load %arg6[%get3A_294, %get3A_295] {strides = array<i32>} : memref<64x256xf32, #tpu.memory_space<vmem>>, vector<1x16xf32>,
              %get3A_297 = vector.shape_cast %get3A_296 : vector<1x16xf32> to vector<16xf32>
              %add3A_298 = arith.addf %while3A_248, %get3A_297 : vector<16xf32>
              %get3A_299 = arith.index_cast %add3A_258 : i32 to index
              %get3A_300 = arith.constant 128 : index
              %get3A_301 = tpu.vector_load %arg6[%get3A_299, %get3A_300] {strides = array<i32>} : memref<64x256xf32, #tpu.memory_space<vmem>>, vector<1x16xf32>,
              %get3A_302 = vector.shape_cast %get3A_301 : vector<1x16xf32> to vector<16xf32>
              %add3A_303 = arith.addf %while3A_249, %get3A_302 : vector<16xf32>
              %get3A_304 = arith.index_cast %add3A_258 : i32 to index
              %get3A_305 = arith.constant 144 : index
              %get3A_306 = tpu.vector_load %arg6[%get3A_304, %get3A_305] {strides = array<i32>} : memref<64x256xf32, #tpu.memory_space<vmem>>, vector<1x16xf32>,
              %get3A_307 = vector.shape_cast %get3A_306 : vector<1x16xf32> to vector<16xf32>
              %add3A_308 = arith.addf %while3A_250, %get3A_307 : vector<16xf32>
              %get3A_309 = arith.index_cast %add3A_258 : i32 to index
              %get3A_310 = arith.constant 160 : index
              %get3A_311 = tpu.vector_load %arg6[%get3A_309, %get3A_310] {strides = array<i32>} : memref<64x256xf32, #tpu.memory_space<vmem>>, vector<1x16xf32>,
              %get3A_312 = vector.shape_cast %get3A_311 : vector<1x16xf32> to vector<16xf32>
              %add3A_313 = arith.addf %while3A_251, %get3A_312 : vector<16xf32>
              %get3A_314 = arith.index_cast %add3A_258 : i32 to index
              %get3A_315 = arith.constant 176 : index
              %get3A_316 = tpu.vector_load %arg6[%get3A_314, %get3A_315] {strides = array<i32>} : memref<64x256xf32, #tpu.memory_space<vmem>>, vector<1x16xf32>,
              %get3A_317 = vector.shape_cast %get3A_316 : vector<1x16xf32> to vector<16xf32>
              %add3A_318 = arith.addf %while3A_252, %get3A_317 : vector<16xf32>
              %get3A_319 = arith.index_cast %add3A_258 : i32 to index
              %get3A_320 = arith.constant 192 : index
              %get3A_321 = tpu.vector_load %arg6[%get3A_319, %get3A_320] {strides = array<i32>} : memref<64x256xf32, #tpu.memory_space<vmem>>, vector<1x16xf32>,
              %get3A_322 = vector.shape_cast %get3A_321 : vector<1x16xf32> to vector<16xf32>
              %add3A_323 = arith.addf %while3A_253, %get3A_322 : vector<16xf32>
              %get3A_324 = arith.index_cast %add3A_258 : i32 to index
              %get3A_325 = arith.constant 208 : index
              %get3A_326 = tpu.vector_load %arg6[%get3A_324, %get3A_325] {strides = array<i32>} : memref<64x256xf32, #tpu.memory_space<vmem>>, vector<1x16xf32>,
              %get3A_327 = vector.shape_cast %get3A_326 : vector<1x16xf32> to vector<16xf32>
              %add3A_328 = arith.addf %while3A_254, %get3A_327 : vector<16xf32>
              %get3A_329 = arith.index_cast %add3A_258 : i32 to index
              %get3A_330 = arith.constant 224 : index
              %get3A_331 = tpu.vector_load %arg6[%get3A_329, %get3A_330] {strides = array<i32>} : memref<64x256xf32, #tpu.memory_space<vmem>>, vector<1x16xf32>,
              %get3A_332 = vector.shape_cast %get3A_331 : vector<1x16xf32> to vector<16xf32>
              %add3A_333 = arith.addf %while3A_255, %get3A_332 : vector<16xf32>
              %get3A_334 = arith.index_cast %add3A_258 : i32 to index
              %get3A_335 = arith.constant 240 : index
              %get3A_336 = tpu.vector_load %arg6[%get3A_334, %get3A_335] {strides = array<i32>} : memref<64x256xf32, #tpu.memory_space<vmem>>, vector<1x16xf32>,
              %get3A_337 = vector.shape_cast %get3A_336 : vector<1x16xf32> to vector<16xf32>
              %add3A_338 = arith.addf %while3A_256, %get3A_337 : vector<16xf32>
              scf.yield %add3A_263, %add3A_268, %add3A_273, %add3A_278, %add3A_283, %add3A_288, %add3A_293, %add3A_298, %add3A_303, %add3A_308, %add3A_313, %add3A_318, %add3A_323, %add3A_328, %add3A_333, %add3A_338 : vector<16xf32>, vector<16xf32>, vector<16xf32>, vector<16xf32>, vector<16xf32>, vector<16xf32>, vector<16xf32>, vector<16xf32>, vector<16xf32>, vector<16xf32>, vector<16xf32>, vector<16xf32>, vector<16xf32>, vector<16xf32>, vector<16xf32>, vector<16xf32>
            }
            %swap3A_160 = arith.index_cast %add3A_63 : i32 to index
            %swap3A_161 = arith.constant 0 : index
            %swap3A_162 = tpu.vector_load %arg8[%swap3A_160, %swap3A_161] {strides = array<i32>} : memref<16x256xf32, #tpu.memory_space<vmem>>, vector<1x16xf32>,
            %swap3A_163 = vector.shape_cast %swap3A_162 : vector<1x16xf32> to vector<16xf32>
            %swap3A_164 = vector.shape_cast %while3A_159#0 : vector<16xf32> to vector<1x16xf32>
            tpu.vector_store %arg8[%swap3A_160, %swap3A_161], %swap3A_164 {strides = array<i32>} : memref<16x256xf32, #tpu.memory_space<vmem>>, vector<1x16xf32>,
            %swap3A_165 = arith.index_cast %add3A_63 : i32 to index
            %swap3A_166 = arith.constant 16 : index
            %swap3A_167 = tpu.vector_load %arg8[%swap3A_165, %swap3A_166] {strides = array<i32>} : memref<16x256xf32, #tpu.memory_space<vmem>>, vector<1x16xf32>,
            %swap3A_168 = vector.shape_cast %swap3A_167 : vector<1x16xf32> to vector<16xf32>
            %swap3A_169 = vector.shape_cast %while3A_159#1 : vector<16xf32> to vector<1x16xf32>
            tpu.vector_store %arg8[%swap3A_165, %swap3A_166], %swap3A_169 {strides = array<i32>} : memref<16x256xf32, #tpu.memory_space<vmem>>, vector<1x16xf32>,
            %swap3A_170 = arith.index_cast %add3A_63 : i32 to index
            %swap3A_171 = arith.constant 32 : index
            %swap3A_172 = tpu.vector_load %arg8[%swap3A_170, %swap3A_171] {strides = array<i32>} : memref<16x256xf32, #tpu.memory_space<vmem>>, vector<1x16xf32>,
            %swap3A_173 = vector.shape_cast %swap3A_172 : vector<1x16xf32> to vector<16xf32>
            %swap3A_174 = vector.shape_cast %while3A_159#2 : vector<16xf32> to vector<1x16xf32>
            tpu.vector_store %arg8[%swap3A_170, %swap3A_171], %swap3A_174 {strides = array<i32>} : memref<16x256xf32, #tpu.memory_space<vmem>>, vector<1x16xf32>,
            %swap3A_175 = arith.index_cast %add3A_63 : i32 to index
            %swap3A_176 = arith.constant 48 : index
            %swap3A_177 = tpu.vector_load %arg8[%swap3A_175, %swap3A_176] {strides = array<i32>} : memref<16x256xf32, #tpu.memory_space<vmem>>, vector<1x16xf32>,
            %swap3A_178 = vector.shape_cast %swap3A_177 : vector<1x16xf32> to vector<16xf32>
            %swap3A_179 = vector.shape_cast %while3A_159#3 : vector<16xf32> to vector<1x16xf32>
            tpu.vector_store %arg8[%swap3A_175, %swap3A_176], %swap3A_179 {strides = array<i32>} : memref<16x256xf32, #tpu.memory_space<vmem>>, vector<1x16xf32>,
            %swap3A_180 = arith.index_cast %add3A_63 : i32 to index
            %swap3A_181 = arith.constant 64 : index
            %swap3A_182 = tpu.vector_load %arg8[%swap3A_180, %swap3A_181] {strides = array<i32>} : memref<16x256xf32, #tpu.memory_space<vmem>>, vector<1x16xf32>,
            %swap3A_183 = vector.shape_cast %swap3A_182 : vector<1x16xf32> to vector<16xf32>
            %swap3A_184 = vector.shape_cast %while3A_159#4 : vector<16xf32> to vector<1x16xf32>
            tpu.vector_store %arg8[%swap3A_180, %swap3A_181], %swap3A_184 {strides = array<i32>} : memref<16x256xf32, #tpu.memory_space<vmem>>, vector<1x16xf32>,
            %swap3A_185 = arith.index_cast %add3A_63 : i32 to index
            %swap3A_186 = arith.constant 80 : index
            %swap3A_187 = tpu.vector_load %arg8[%swap3A_185, %swap3A_186] {strides = array<i32>} : memref<16x256xf32, #tpu.memory_space<vmem>>, vector<1x16xf32>,
            %swap3A_188 = vector.shape_cast %swap3A_187 : vector<1x16xf32> to vector<16xf32>
            %swap3A_189 = vector.shape_cast %while3A_159#5 : vector<16xf32> to vector<1x16xf32>
            tpu.vector_store %arg8[%swap3A_185, %swap3A_186], %swap3A_189 {strides = array<i32>} : memref<16x256xf32, #tpu.memory_space<vmem>>, vector<1x16xf32>,
            %swap3A_190 = arith.index_cast %add3A_63 : i32 to index
            %swap3A_191 = arith.constant 96 : index
            %swap3A_192 = tpu.vector_load %arg8[%swap3A_190, %swap3A_191] {strides = array<i32>} : memref<16x256xf32, #tpu.memory_space<vmem>>, vector<1x16xf32>,
            %swap3A_193 = vector.shape_cast %swap3A_192 : vector<1x16xf32> to vector<16xf32>
            %swap3A_194 = vector.shape_cast %while3A_159#6 : vector<16xf32> to vector<1x16xf32>
            tpu.vector_store %arg8[%swap3A_190, %swap3A_191], %swap3A_194 {strides = array<i32>} : memref<16x256xf32, #tpu.memory_space<vmem>>, vector<1x16xf32>,
            %swap3A_195 = arith.index_cast %add3A_63 : i32 to index
            %swap3A_196 = arith.constant 112 : index
            %swap3A_197 = tpu.vector_load %arg8[%swap3A_195, %swap3A_196] {strides = array<i32>} : memref<16x256xf32, #tpu.memory_space<vmem>>, vector<1x16xf32>,
            %swap3A_198 = vector.shape_cast %swap3A_197 : vector<1x16xf32> to vector<16xf32>
            %swap3A_199 = vector.shape_cast %while3A_159#7 : vector<16xf32> to vector<1x16xf32>
            tpu.vector_store %arg8[%swap3A_195, %swap3A_196], %swap3A_199 {strides = array<i32>} : memref<16x256xf32, #tpu.memory_space<vmem>>, vector<1x16xf32>,
            %swap3A_200 = arith.index_cast %add3A_63 : i32 to index
            %swap3A_201 = arith.constant 128 : index
            %swap3A_202 = tpu.vector_load %arg8[%swap3A_200, %swap3A_201] {strides = array<i32>} : memref<16x256xf32, #tpu.memory_space<vmem>>, vector<1x16xf32>,
            %swap3A_203 = vector.shape_cast %swap3A_202 : vector<1x16xf32> to vector<16xf32>
            %swap3A_204 = vector.shape_cast %while3A_159#8 : vector<16xf32> to vector<1x16xf32>
            tpu.vector_store %arg8[%swap3A_200, %swap3A_201], %swap3A_204 {strides = array<i32>} : memref<16x256xf32, #tpu.memory_space<vmem>>, vector<1x16xf32>,
            %swap3A_205 = arith.index_cast %add3A_63 : i32 to index
            %swap3A_206 = arith.constant 144 : index
            %swap3A_207 = tpu.vector_load %arg8[%swap3A_205, %swap3A_206] {strides = array<i32>} : memref<16x256xf32, #tpu.memory_space<vmem>>, vector<1x16xf32>,
            %swap3A_208 = vector.shape_cast %swap3A_207 : vector<1x16xf32> to vector<16xf32>
            %swap3A_209 = vector.shape_cast %while3A_159#9 : vector<16xf32> to vector<1x16xf32>
            tpu.vector_store %arg8[%swap3A_205, %swap3A_206], %swap3A_209 {strides = array<i32>} : memref<16x256xf32, #tpu.memory_space<vmem>>, vector<1x16xf32>,
            %swap3A_210 = arith.index_cast %add3A_63 : i32 to index
            %swap3A_211 = arith.constant 160 : index
            %swap3A_212 = tpu.vector_load %arg8[%swap3A_210, %swap3A_211] {strides = array<i32>} : memref<16x256xf32, #tpu.memory_space<vmem>>, vector<1x16xf32>,
            %swap3A_213 = vector.shape_cast %swap3A_212 : vector<1x16xf32> to vector<16xf32>
            %swap3A_214 = vector.shape_cast %while3A_159#10 : vector<16xf32> to vector<1x16xf32>
            tpu.vector_store %arg8[%swap3A_210, %swap3A_211], %swap3A_214 {strides = array<i32>} : memref<16x256xf32, #tpu.memory_space<vmem>>, vector<1x16xf32>,
            %swap3A_215 = arith.index_cast %add3A_63 : i32 to index
            %swap3A_216 = arith.constant 176 : index
            %swap3A_217 = tpu.vector_load %arg8[%swap3A_215, %swap3A_216] {strides = array<i32>} : memref<16x256xf32, #tpu.memory_space<vmem>>, vector<1x16xf32>,
            %swap3A_218 = vector.shape_cast %swap3A_217 : vector<1x16xf32> to vector<16xf32>
            %swap3A_219 = vector.shape_cast %while3A_159#11 : vector<16xf32> to vector<1x16xf32>
            tpu.vector_store %arg8[%swap3A_215, %swap3A_216], %swap3A_219 {strides = array<i32>} : memref<16x256xf32, #tpu.memory_space<vmem>>, vector<1x16xf32>,
            %swap3A_220 = arith.index_cast %add3A_63 : i32 to index
            %swap3A_221 = arith.constant 192 : index
            %swap3A_222 = tpu.vector_load %arg8[%swap3A_220, %swap3A_221] {strides = array<i32>} : memref<16x256xf32, #tpu.memory_space<vmem>>, vector<1x16xf32>,
            %swap3A_223 = vector.shape_cast %swap3A_222 : vector<1x16xf32> to vector<16xf32>
            %swap3A_224 = vector.shape_cast %while3A_159#12 : vector<16xf32> to vector<1x16xf32>
            tpu.vector_store %arg8[%swap3A_220, %swap3A_221], %swap3A_224 {strides = array<i32>} : memref<16x256xf32, #tpu.memory_space<vmem>>, vector<1x16xf32>,
            %swap3A_225 = arith.index_cast %add3A_63 : i32 to index
            %swap3A_226 = arith.constant 208 : index
            %swap3A_227 = tpu.vector_load %arg8[%swap3A_225, %swap3A_226] {strides = array<i32>} : memref<16x256xf32, #tpu.memory_space<vmem>>, vector<1x16xf32>,
            %swap3A_228 = vector.shape_cast %swap3A_227 : vector<1x16xf32> to vector<16xf32>
            %swap3A_229 = vector.shape_cast %while3A_159#13 : vector<16xf32> to vector<1x16xf32>
            tpu.vector_store %arg8[%swap3A_225, %swap3A_226], %swap3A_229 {strides = array<i32>} : memref<16x256xf32, #tpu.memory_space<vmem>>, vector<1x16xf32>,
            %swap3A_230 = arith.index_cast %add3A_63 : i32 to index
            %swap3A_231 = arith.constant 224 : index
            %swap3A_232 = tpu.vector_load %arg8[%swap3A_230, %swap3A_231] {strides = array<i32>} : memref<16x256xf32, #tpu.memory_space<vmem>>, vector<1x16xf32>,
            %swap3A_233 = vector.shape_cast %swap3A_232 : vector<1x16xf32> to vector<16xf32>
            %swap3A_234 = vector.shape_cast %while3A_159#14 : vector<16xf32> to vector<1x16xf32>
            tpu.vector_store %arg8[%swap3A_230, %swap3A_231], %swap3A_234 {strides = array<i32>} : memref<16x256xf32, #tpu.memory_space<vmem>>, vector<1x16xf32>,
            %swap3A_235 = arith.index_cast %add3A_63 : i32 to index
            %swap3A_236 = arith.constant 240 : index
            %swap3A_237 = tpu.vector_load %arg8[%swap3A_235, %swap3A_236] {strides = array<i32>} : memref<16x256xf32, #tpu.memory_space<vmem>>, vector<1x16xf32>,
            %swap3A_238 = vector.shape_cast %swap3A_237 : vector<1x16xf32> to vector<16xf32>
            %swap3A_239 = vector.shape_cast %while3A_159#15 : vector<16xf32> to vector<1x16xf32>
            tpu.vector_store %arg8[%swap3A_235, %swap3A_236], %swap3A_239 {strides = array<i32>} : memref<16x256xf32, #tpu.memory_space<vmem>>, vector<1x16xf32>,
          } else {
          }
        }
        %scan3A_58 = arith.constant 16 : i32
      } else {
      }
      %add3A_32 = arith.constant 1 : i32
      %add3A_33 = arith.addi %add3A_27, %add3A_32 : i32
      %lt3A_34 = arith.constant 7 : i32
      %lt3A_35 = arith.cmpi slt, %add3A_33, %lt3A_34 : i32
      %convert_element_type3A_36 = arith.extui %lt3A_35 : i1 to i32
      %cond3A_37 = arith.constant 0 : i32
      %cond3A_38 = arith.cmpi ne, %convert_element_type3A_36, %cond3A_37 : i32
      scf.if %cond3A_38 {
        %add3A_39 = arith.constant 1 : i32
        %add3A_40 = arith.addi %add3A_33, %add3A_39 : i32
        %lt3A_41 = arith.constant 7 : i32
        %lt3A_42 = arith.cmpi slt, %add3A_40, %lt3A_41 : i32
        %convert_element_type3A_43 = arith.extui %lt3A_42 : i1 to i32
        %cond3A_44 = arith.constant 0 : i32
        %cond3A_45 = arith.cmpi ne, %convert_element_type3A_43, %cond3A_44 : i32
        scf.if %cond3A_45 {
          %add3A_59 = arith.constant 1 : i32
          %add3A_60 = arith.addi %add3A_33, %add3A_59 : i32
          %mul3A_61 = arith.constant 64 : i32
          %mul3A_62 = arith.muli %add3A_60, %mul3A_61 : i32
          %add3A_63 = arith.addi %add3A_4, %mul3A_62 : i32
          %dma_start3A_64 = arith.constant 0 : i32
          %dma_start3A_65 = tpu.memref_slice %arg2[%add3A_63, %dma_start3A_64] : memref<32768x256xf32, #tpu.memory_space<hbm>> -> memref<64x256xf32, #tpu.memory_space<hbm>>
          %dma_start3A_66 = arith.constant 0 : i32
          %dma_start3A_67 = tpu.memref_slice %arg2[%add3A_63, %dma_start3A_66] : memref<32768x256xf32, #tpu.memory_space<hbm>> -> memref<64x256xf32, #tpu.memory_space<hbm>>
          tpu.enqueue_dma source(%dma_start3A_67 : memref<64x256xf32, #tpu.memory_space<hbm>>) target(%arg6 : memref<64x256xf32, #tpu.memory_space<vmem>>) target_semaphore(%arg9 : memref<!tpu.dma_semaphore, #tpu.memory_space<semaphore_mem>>)
        } else {
        }
        %dma_wait3A = arith.constant 0 : i32
        %dma_wait3A_46 = arith.constant 0 : i32
        %dma_wait3A_47 = tpu.memref_slice %arg2[%dma_wait3A, %dma_wait3A_46] : memref<32768x256xf32, #tpu.memory_space<hbm>> -> memref<64x256xf32, #tpu.memory_space<hbm>>
        %dma_wait3A_48 = arith.constant 0 : i32
        %dma_wait3A_49 = arith.constant 0 : i32
        %dma_wait3A_50 = tpu.memref_slice %arg2[%dma_wait3A_48, %dma_wait3A_49] : memref<32768x256xf32, #tpu.memory_space<hbm>> -> memref<64x256xf32, #tpu.memory_space<hbm>>
        tpu.wait_dma2 semaphore(%arg10 : memref<!tpu.dma_semaphore, #tpu.memory_space<semaphore_mem>>) src(%dma_wait3A_50 : memref<64x256xf32, #tpu.memory_space<hbm>>) dst(%arg7 : memref<64x256xf32, #tpu.memory_space<vmem>>)
        %mul3A_51 = arith.constant 64 : i32
        %mul3A_52 = arith.muli %add3A_33, %mul3A_51 : i32
        %add3A_53 = arith.addi %add3A_4, %mul3A_52 : i32
        %scan3A_54 = arith.constant 0 : i32
        %scan3A_55 = arith.constant 16 : i32
        %scan3A_56 = arith.addi %scan3A_54, %scan3A_55 : i32
        %scan3A_57 = arith.constant 1 : i32
        scf.for %scan3A_59 = %scan3A_54 to %scan3A_56 step %scan3A_57  : i32 {
          %mul3A_60 = arith.constant 1 : i32
          %mul3A_61 = arith.muli %scan3A_59, %mul3A_60 : i32
          %add3A_62 = arith.constant 0 : i32
          %add3A_63 = arith.addi %add3A_62, %mul3A_61 : i32
          %get3A = arith.index_cast %add3A_63 : i32 to index
          %get3A_64 = tpu.vector_load %arg5[%get3A] {strides = array<i32>} : memref<32xi32, #tpu.memory_space<vmem>>, vector<16xi32>,
          %get3A_65 = vector.shape_cast %get3A_64 : vector<16xi32> to vector<16xi32>
          %slice3A = vector.extract_strided_slice %get3A_65 {offsets = [0], sizes = [1], strides = [1]} : vector<16xi32> to vector<1xi32>
          %squeeze3A = vector.extract %slice3A[0] : i32 from vector<1xi32>
          %max3A = arith.maxsi %squeeze3A, %add3A_53 : i32
          %sub3A = arith.subi %max3A, %add3A_53 : i32
          %add3A_66 = arith.constant 1 : i32
          %add3A_67 = arith.addi %add3A_63, %add3A_66 : i32
          %get3A_68 = arith.index_cast %add3A_67 : i32 to index
          %get3A_69 = tpu.vector_load %arg5[%get3A_68] {strides = array<i32>} : memref<32xi32, #tpu.memory_space<vmem>>, vector<16xi32>,
          %get3A_70 = vector.shape_cast %get3A_69 : vector<16xi32> to vector<16xi32>
          %slice3A_71 = vector.extract_strided_slice %get3A_70 {offsets = [0], sizes = [1], strides = [1]} : vector<16xi32> to vector<1xi32>
          %squeeze3A_72 = vector.extract %slice3A_71[0] : i32 from vector<1xi32>
          %add3A_73 = arith.constant 64 : i32
          %add3A_74 = arith.addi %add3A_53, %add3A_73 : i32
          %min3A = arith.minsi %squeeze3A_72, %add3A_74 : i32
          %sub3A_75 = arith.subi %min3A, %add3A_53 : i32
          %gt3A = arith.cmpi sgt, %sub3A_75, %sub3A : i32
          %convert_element_type3A_76 = arith.extui %gt3A : i1 to i32
          %cond3A_77 = arith.constant 0 : i32
          %cond3A_78 = arith.cmpi ne, %convert_element_type3A_76, %cond3A_77 : i32
          scf.if %cond3A_78 {
            %get3A_79 = arith.index_cast %add3A_63 : i32 to index
            %get3A_80 = arith.constant 0 : index
            %get3A_81 = tpu.vector_load %arg8[%get3A_79, %get3A_80] {strides = array<i32>} : memref<16x256xf32, #tpu.memory_space<vmem>>, vector<1x16xf32>,
            %get3A_82 = vector.shape_cast %get3A_81 : vector<1x16xf32> to vector<16xf32>
            %get3A_83 = arith.index_cast %add3A_63 : i32 to index
            %get3A_84 = arith.constant 16 : index
            %get3A_85 = tpu.vector_load %arg8[%get3A_83, %get3A_84] {strides = array<i32>} : memref<16x256xf32, #tpu.memory_space<vmem>>, vector<1x16xf32>,
            %get3A_86 = vector.shape_cast %get3A_85 : vector<1x16xf32> to vector<16xf32>
            %get3A_87 = arith.index_cast %add3A_63 : i32 to index
            %get3A_88 = arith.constant 32 : index
            %get3A_89 = tpu.vector_load %arg8[%get3A_87, %get3A_88] {strides = array<i32>} : memref<16x256xf32, #tpu.memory_space<vmem>>, vector<1x16xf32>,
            %get3A_90 = vector.shape_cast %get3A_89 : vector<1x16xf32> to vector<16xf32>
            %get3A_91 = arith.index_cast %add3A_63 : i32 to index
            %get3A_92 = arith.constant 48 : index
            %get3A_93 = tpu.vector_load %arg8[%get3A_91, %get3A_92] {strides = array<i32>} : memref<16x256xf32, #tpu.memory_space<vmem>>, vector<1x16xf32>,
            %get3A_94 = vector.shape_cast %get3A_93 : vector<1x16xf32> to vector<16xf32>
            %get3A_95 = arith.index_cast %add3A_63 : i32 to index
            %get3A_96 = arith.constant 64 : index
            %get3A_97 = tpu.vector_load %arg8[%get3A_95, %get3A_96] {strides = array<i32>} : memref<16x256xf32, #tpu.memory_space<vmem>>, vector<1x16xf32>,
            %get3A_98 = vector.shape_cast %get3A_97 : vector<1x16xf32> to vector<16xf32>
            %get3A_99 = arith.index_cast %add3A_63 : i32 to index
            %get3A_100 = arith.constant 80 : index
            %get3A_101 = tpu.vector_load %arg8[%get3A_99, %get3A_100] {strides = array<i32>} : memref<16x256xf32, #tpu.memory_space<vmem>>, vector<1x16xf32>,
            %get3A_102 = vector.shape_cast %get3A_101 : vector<1x16xf32> to vector<16xf32>
            %get3A_103 = arith.index_cast %add3A_63 : i32 to index
            %get3A_104 = arith.constant 96 : index
            %get3A_105 = tpu.vector_load %arg8[%get3A_103, %get3A_104] {strides = array<i32>} : memref<16x256xf32, #tpu.memory_space<vmem>>, vector<1x16xf32>,
            %get3A_106 = vector.shape_cast %get3A_105 : vector<1x16xf32> to vector<16xf32>
            %get3A_107 = arith.index_cast %add3A_63 : i32 to index
            %get3A_108 = arith.constant 112 : index
            %get3A_109 = tpu.vector_load %arg8[%get3A_107, %get3A_108] {strides = array<i32>} : memref<16x256xf32, #tpu.memory_space<vmem>>, vector<1x16xf32>,
            %get3A_110 = vector.shape_cast %get3A_109 : vector<1x16xf32> to vector<16xf32>
            %get3A_111 = arith.index_cast %add3A_63 : i32 to index
            %get3A_112 = arith.constant 128 : index
            %get3A_113 = tpu.vector_load %arg8[%get3A_111, %get3A_112] {strides = array<i32>} : memref<16x256xf32, #tpu.memory_space<vmem>>, vector<1x16xf32>,
            %get3A_114 = vector.shape_cast %get3A_113 : vector<1x16xf32> to vector<16xf32>
            %get3A_115 = arith.index_cast %add3A_63 : i32 to index
            %get3A_116 = arith.constant 144 : index
            %get3A_117 = tpu.vector_load %arg8[%get3A_115, %get3A_116] {strides = array<i32>} : memref<16x256xf32, #tpu.memory_space<vmem>>, vector<1x16xf32>,
            %get3A_118 = vector.shape_cast %get3A_117 : vector<1x16xf32> to vector<16xf32>
            %get3A_119 = arith.index_cast %add3A_63 : i32 to index
            %get3A_120 = arith.constant 160 : index
            %get3A_121 = tpu.vector_load %arg8[%get3A_119, %get3A_120] {strides = array<i32>} : memref<16x256xf32, #tpu.memory_space<vmem>>, vector<1x16xf32>,
            %get3A_122 = vector.shape_cast %get3A_121 : vector<1x16xf32> to vector<16xf32>
            %get3A_123 = arith.index_cast %add3A_63 : i32 to index
            %get3A_124 = arith.constant 176 : index
            %get3A_125 = tpu.vector_load %arg8[%get3A_123, %get3A_124] {strides = array<i32>} : memref<16x256xf32, #tpu.memory_space<vmem>>, vector<1x16xf32>,
            %get3A_126 = vector.shape_cast %get3A_125 : vector<1x16xf32> to vector<16xf32>
            %get3A_127 = arith.index_cast %add3A_63 : i32 to index
            %get3A_128 = arith.constant 192 : index
            %get3A_129 = tpu.vector_load %arg8[%get3A_127, %get3A_128] {strides = array<i32>} : memref<16x256xf32, #tpu.memory_space<vmem>>, vector<1x16xf32>,
            %get3A_130 = vector.shape_cast %get3A_129 : vector<1x16xf32> to vector<16xf32>
            %get3A_131 = arith.index_cast %add3A_63 : i32 to index
            %get3A_132 = arith.constant 208 : index
            %get3A_133 = tpu.vector_load %arg8[%get3A_131, %get3A_132] {strides = array<i32>} : memref<16x256xf32, #tpu.memory_space<vmem>>, vector<1x16xf32>,
            %get3A_134 = vector.shape_cast %get3A_133 : vector<1x16xf32> to vector<16xf32>
            %get3A_135 = arith.index_cast %add3A_63 : i32 to index
            %get3A_136 = arith.constant 224 : index
            %get3A_137 = tpu.vector_load %arg8[%get3A_135, %get3A_136] {strides = array<i32>} : memref<16x256xf32, #tpu.memory_space<vmem>>, vector<1x16xf32>,
            %get3A_138 = vector.shape_cast %get3A_137 : vector<1x16xf32> to vector<16xf32>
            %get3A_139 = arith.index_cast %add3A_63 : i32 to index
            %get3A_140 = arith.constant 240 : index
            %get3A_141 = tpu.vector_load %arg8[%get3A_139, %get3A_140] {strides = array<i32>} : memref<16x256xf32, #tpu.memory_space<vmem>>, vector<1x16xf32>,
            %get3A_142 = vector.shape_cast %get3A_141 : vector<1x16xf32> to vector<16xf32>
            %sub3A_143 = arith.subi %sub3A_75, %sub3A : i32
            %sub3A_144 = arith.constant 1 : i32
            %sub3A_145 = arith.constant 1 : i32
            %sub3A_146 = arith.subi %sub3A_144, %sub3A_145 : i32
            %add3A_147 = arith.addi %sub3A_143, %sub3A_146 : i32
            %div3A = arith.constant 1 : i32
            %div3A_148 = arith.divsi %add3A_147, %div3A : i32
            %while3A = arith.constant 1 : i32
            %while3A_149 = arith.constant 0 : i32
            %while3A_150 = arith.subi %div3A_148, %while3A_149 : i32
            %while3A_151 = arith.addi %while3A_149, %while3A_150 : i32
            %while3A_152 = arith.constant 1 : i32
            %while3A_153 = arith.divsi %while3A_150, %while3A_152 : i32
            %while3A_154 = arith.muli %while3A_153, %while3A_152 : i32
            %while3A_155 = arith.addi %while3A_149, %while3A_154 : i32
            %while3A_156 = arith.constant 1 : i32
            %while3A_157:16 = scf.for %while3A_240 = %while3A_149 to %while3A_155 step %while3A_156 iter_args(%while3A_241 = %get3A_82, %while3A_242 = %get3A_86, %while3A_243 = %get3A_90, %while3A_244 = %get3A_94, %while3A_245 = %get3A_98, %while3A_246 = %get3A_102, %while3A_247 = %get3A_106, %while3A_248 = %get3A_110, %while3A_249 = %get3A_114, %while3A_250 = %get3A_118, %while3A_251 = %get3A_122, %while3A_252 = %get3A_126, %while3A_253 = %get3A_130, %while3A_254 = %get3A_134, %while3A_255 = %get3A_138, %while3A_256 = %get3A_142) -> (vector<16xf32>, vector<16xf32>, vector<16xf32>, vector<16xf32>, vector<16xf32>, vector<16xf32>, vector<16xf32>, vector<16xf32>, vector<16xf32>, vector<16xf32>, vector<16xf32>, vector<16xf32>, vector<16xf32>, vector<16xf32>, vector<16xf32>, vector<16xf32>)  : i32 {
              %mul3A_257 = arith.muli %while3A_240, %while3A : i32
              %add3A_258 = arith.addi %sub3A, %mul3A_257 : i32
              %get3A_259 = arith.index_cast %add3A_258 : i32 to index
              %get3A_260 = arith.constant 0 : index
              %get3A_261 = tpu.vector_load %arg7[%get3A_259, %get3A_260] {strides = array<i32>} : memref<64x256xf32, #tpu.memory_space<vmem>>, vector<1x16xf32>,
              %get3A_262 = vector.shape_cast %get3A_261 : vector<1x16xf32> to vector<16xf32>
              %add3A_263 = arith.addf %while3A_241, %get3A_262 : vector<16xf32>
              %get3A_264 = arith.index_cast %add3A_258 : i32 to index
              %get3A_265 = arith.constant 16 : index
              %get3A_266 = tpu.vector_load %arg7[%get3A_264, %get3A_265] {strides = array<i32>} : memref<64x256xf32, #tpu.memory_space<vmem>>, vector<1x16xf32>,
              %get3A_267 = vector.shape_cast %get3A_266 : vector<1x16xf32> to vector<16xf32>
              %add3A_268 = arith.addf %while3A_242, %get3A_267 : vector<16xf32>
              %get3A_269 = arith.index_cast %add3A_258 : i32 to index
              %get3A_270 = arith.constant 32 : index
              %get3A_271 = tpu.vector_load %arg7[%get3A_269, %get3A_270] {strides = array<i32>} : memref<64x256xf32, #tpu.memory_space<vmem>>, vector<1x16xf32>,
              %get3A_272 = vector.shape_cast %get3A_271 : vector<1x16xf32> to vector<16xf32>
              %add3A_273 = arith.addf %while3A_243, %get3A_272 : vector<16xf32>
              %get3A_274 = arith.index_cast %add3A_258 : i32 to index
              %get3A_275 = arith.constant 48 : index
              %get3A_276 = tpu.vector_load %arg7[%get3A_274, %get3A_275] {strides = array<i32>} : memref<64x256xf32, #tpu.memory_space<vmem>>, vector<1x16xf32>,
              %get3A_277 = vector.shape_cast %get3A_276 : vector<1x16xf32> to vector<16xf32>
              %add3A_278 = arith.addf %while3A_244, %get3A_277 : vector<16xf32>
              %get3A_279 = arith.index_cast %add3A_258 : i32 to index
              %get3A_280 = arith.constant 64 : index
              %get3A_281 = tpu.vector_load %arg7[%get3A_279, %get3A_280] {strides = array<i32>} : memref<64x256xf32, #tpu.memory_space<vmem>>, vector<1x16xf32>,
              %get3A_282 = vector.shape_cast %get3A_281 : vector<1x16xf32> to vector<16xf32>
              %add3A_283 = arith.addf %while3A_245, %get3A_282 : vector<16xf32>
              %get3A_284 = arith.index_cast %add3A_258 : i32 to index
              %get3A_285 = arith.constant 80 : index
              %get3A_286 = tpu.vector_load %arg7[%get3A_284, %get3A_285] {strides = array<i32>} : memref<64x256xf32, #tpu.memory_space<vmem>>, vector<1x16xf32>,
              %get3A_287 = vector.shape_cast %get3A_286 : vector<1x16xf32> to vector<16xf32>
              %add3A_288 = arith.addf %while3A_246, %get3A_287 : vector<16xf32>
              %get3A_289 = arith.index_cast %add3A_258 : i32 to index
              %get3A_290 = arith.constant 96 : index
              %get3A_291 = tpu.vector_load %arg7[%get3A_289, %get3A_290] {strides = array<i32>} : memref<64x256xf32, #tpu.memory_space<vmem>>, vector<1x16xf32>,
              %get3A_292 = vector.shape_cast %get3A_291 : vector<1x16xf32> to vector<16xf32>
              %add3A_293 = arith.addf %while3A_247, %get3A_292 : vector<16xf32>
              %get3A_294 = arith.index_cast %add3A_258 : i32 to index
              %get3A_295 = arith.constant 112 : index
              %get3A_296 = tpu.vector_load %arg7[%get3A_294, %get3A_295] {strides = array<i32>} : memref<64x256xf32, #tpu.memory_space<vmem>>, vector<1x16xf32>,
              %get3A_297 = vector.shape_cast %get3A_296 : vector<1x16xf32> to vector<16xf32>
              %add3A_298 = arith.addf %while3A_248, %get3A_297 : vector<16xf32>
              %get3A_299 = arith.index_cast %add3A_258 : i32 to index
              %get3A_300 = arith.constant 128 : index
              %get3A_301 = tpu.vector_load %arg7[%get3A_299, %get3A_300] {strides = array<i32>} : memref<64x256xf32, #tpu.memory_space<vmem>>, vector<1x16xf32>,
              %get3A_302 = vector.shape_cast %get3A_301 : vector<1x16xf32> to vector<16xf32>
              %add3A_303 = arith.addf %while3A_249, %get3A_302 : vector<16xf32>
              %get3A_304 = arith.index_cast %add3A_258 : i32 to index
              %get3A_305 = arith.constant 144 : index
              %get3A_306 = tpu.vector_load %arg7[%get3A_304, %get3A_305] {strides = array<i32>} : memref<64x256xf32, #tpu.memory_space<vmem>>, vector<1x16xf32>,
              %get3A_307 = vector.shape_cast %get3A_306 : vector<1x16xf32> to vector<16xf32>
              %add3A_308 = arith.addf %while3A_250, %get3A_307 : vector<16xf32>
              %get3A_309 = arith.index_cast %add3A_258 : i32 to index
              %get3A_310 = arith.constant 160 : index
              %get3A_311 = tpu.vector_load %arg7[%get3A_309, %get3A_310] {strides = array<i32>} : memref<64x256xf32, #tpu.memory_space<vmem>>, vector<1x16xf32>,
              %get3A_312 = vector.shape_cast %get3A_311 : vector<1x16xf32> to vector<16xf32>
              %add3A_313 = arith.addf %while3A_251, %get3A_312 : vector<16xf32>
              %get3A_314 = arith.index_cast %add3A_258 : i32 to index
              %get3A_315 = arith.constant 176 : index
              %get3A_316 = tpu.vector_load %arg7[%get3A_314, %get3A_315] {strides = array<i32>} : memref<64x256xf32, #tpu.memory_space<vmem>>, vector<1x16xf32>,
              %get3A_317 = vector.shape_cast %get3A_316 : vector<1x16xf32> to vector<16xf32>
              %add3A_318 = arith.addf %while3A_252, %get3A_317 : vector<16xf32>
              %get3A_319 = arith.index_cast %add3A_258 : i32 to index
              %get3A_320 = arith.constant 192 : index
              %get3A_321 = tpu.vector_load %arg7[%get3A_319, %get3A_320] {strides = array<i32>} : memref<64x256xf32, #tpu.memory_space<vmem>>, vector<1x16xf32>,
              %get3A_322 = vector.shape_cast %get3A_321 : vector<1x16xf32> to vector<16xf32>
              %add3A_323 = arith.addf %while3A_253, %get3A_322 : vector<16xf32>
              %get3A_324 = arith.index_cast %add3A_258 : i32 to index
              %get3A_325 = arith.constant 208 : index
              %get3A_326 = tpu.vector_load %arg7[%get3A_324, %get3A_325] {strides = array<i32>} : memref<64x256xf32, #tpu.memory_space<vmem>>, vector<1x16xf32>,
              %get3A_327 = vector.shape_cast %get3A_326 : vector<1x16xf32> to vector<16xf32>
              %add3A_328 = arith.addf %while3A_254, %get3A_327 : vector<16xf32>
              %get3A_329 = arith.index_cast %add3A_258 : i32 to index
              %get3A_330 = arith.constant 224 : index
              %get3A_331 = tpu.vector_load %arg7[%get3A_329, %get3A_330] {strides = array<i32>} : memref<64x256xf32, #tpu.memory_space<vmem>>, vector<1x16xf32>,
              %get3A_332 = vector.shape_cast %get3A_331 : vector<1x16xf32> to vector<16xf32>
              %add3A_333 = arith.addf %while3A_255, %get3A_332 : vector<16xf32>
              %get3A_334 = arith.index_cast %add3A_258 : i32 to index
              %get3A_335 = arith.constant 240 : index
              %get3A_336 = tpu.vector_load %arg7[%get3A_334, %get3A_335] {strides = array<i32>} : memref<64x256xf32, #tpu.memory_space<vmem>>, vector<1x16xf32>,
              %get3A_337 = vector.shape_cast %get3A_336 : vector<1x16xf32> to vector<16xf32>
              %add3A_338 = arith.addf %while3A_256, %get3A_337 : vector<16xf32>
              scf.yield %add3A_263, %add3A_268, %add3A_273, %add3A_278, %add3A_283, %add3A_288, %add3A_293, %add3A_298, %add3A_303, %add3A_308, %add3A_313, %add3A_318, %add3A_323, %add3A_328, %add3A_333, %add3A_338 : vector<16xf32>, vector<16xf32>, vector<16xf32>, vector<16xf32>, vector<16xf32>, vector<16xf32>, vector<16xf32>, vector<16xf32>, vector<16xf32>, vector<16xf32>, vector<16xf32>, vector<16xf32>, vector<16xf32>, vector<16xf32>, vector<16xf32>, vector<16xf32>
            }
            %while3A_158 = arith.constant 1 : i32
            %while3A_159:16 = scf.for %while3A_240 = %while3A_155 to %while3A_151 step %while3A_158 iter_args(%while3A_241 = %while3A_157#0, %while3A_242 = %while3A_157#1, %while3A_243 = %while3A_157#2, %while3A_244 = %while3A_157#3, %while3A_245 = %while3A_157#4, %while3A_246 = %while3A_157#5, %while3A_247 = %while3A_157#6, %while3A_248 = %while3A_157#7, %while3A_249 = %while3A_157#8, %while3A_250 = %while3A_157#9, %while3A_251 = %while3A_157#10, %while3A_252 = %while3A_157#11, %while3A_253 = %while3A_157#12, %while3A_254 = %while3A_157#13, %while3A_255 = %while3A_157#14, %while3A_256 = %while3A_157#15) -> (vector<16xf32>, vector<16xf32>, vector<16xf32>, vector<16xf32>, vector<16xf32>, vector<16xf32>, vector<16xf32>, vector<16xf32>, vector<16xf32>, vector<16xf32>, vector<16xf32>, vector<16xf32>, vector<16xf32>, vector<16xf32>, vector<16xf32>, vector<16xf32>)  : i32 {
              %mul3A_257 = arith.muli %while3A_240, %while3A : i32
              %add3A_258 = arith.addi %sub3A, %mul3A_257 : i32
              %get3A_259 = arith.index_cast %add3A_258 : i32 to index
              %get3A_260 = arith.constant 0 : index
              %get3A_261 = tpu.vector_load %arg7[%get3A_259, %get3A_260] {strides = array<i32>} : memref<64x256xf32, #tpu.memory_space<vmem>>, vector<1x16xf32>,
              %get3A_262 = vector.shape_cast %get3A_261 : vector<1x16xf32> to vector<16xf32>
              %add3A_263 = arith.addf %while3A_241, %get3A_262 : vector<16xf32>
              %get3A_264 = arith.index_cast %add3A_258 : i32 to index
              %get3A_265 = arith.constant 16 : index
              %get3A_266 = tpu.vector_load %arg7[%get3A_264, %get3A_265] {strides = array<i32>} : memref<64x256xf32, #tpu.memory_space<vmem>>, vector<1x16xf32>,
              %get3A_267 = vector.shape_cast %get3A_266 : vector<1x16xf32> to vector<16xf32>
              %add3A_268 = arith.addf %while3A_242, %get3A_267 : vector<16xf32>
              %get3A_269 = arith.index_cast %add3A_258 : i32 to index
              %get3A_270 = arith.constant 32 : index
              %get3A_271 = tpu.vector_load %arg7[%get3A_269, %get3A_270] {strides = array<i32>} : memref<64x256xf32, #tpu.memory_space<vmem>>, vector<1x16xf32>,
              %get3A_272 = vector.shape_cast %get3A_271 : vector<1x16xf32> to vector<16xf32>
              %add3A_273 = arith.addf %while3A_243, %get3A_272 : vector<16xf32>
              %get3A_274 = arith.index_cast %add3A_258 : i32 to index
              %get3A_275 = arith.constant 48 : index
              %get3A_276 = tpu.vector_load %arg7[%get3A_274, %get3A_275] {strides = array<i32>} : memref<64x256xf32, #tpu.memory_space<vmem>>, vector<1x16xf32>,
              %get3A_277 = vector.shape_cast %get3A_276 : vector<1x16xf32> to vector<16xf32>
              %add3A_278 = arith.addf %while3A_244, %get3A_277 : vector<16xf32>
              %get3A_279 = arith.index_cast %add3A_258 : i32 to index
              %get3A_280 = arith.constant 64 : index
              %get3A_281 = tpu.vector_load %arg7[%get3A_279, %get3A_280] {strides = array<i32>} : memref<64x256xf32, #tpu.memory_space<vmem>>, vector<1x16xf32>,
              %get3A_282 = vector.shape_cast %get3A_281 : vector<1x16xf32> to vector<16xf32>
              %add3A_283 = arith.addf %while3A_245, %get3A_282 : vector<16xf32>
              %get3A_284 = arith.index_cast %add3A_258 : i32 to index
              %get3A_285 = arith.constant 80 : index
              %get3A_286 = tpu.vector_load %arg7[%get3A_284, %get3A_285] {strides = array<i32>} : memref<64x256xf32, #tpu.memory_space<vmem>>, vector<1x16xf32>,
              %get3A_287 = vector.shape_cast %get3A_286 : vector<1x16xf32> to vector<16xf32>
              %add3A_288 = arith.addf %while3A_246, %get3A_287 : vector<16xf32>
              %get3A_289 = arith.index_cast %add3A_258 : i32 to index
              %get3A_290 = arith.constant 96 : index
              %get3A_291 = tpu.vector_load %arg7[%get3A_289, %get3A_290] {strides = array<i32>} : memref<64x256xf32, #tpu.memory_space<vmem>>, vector<1x16xf32>,
              %get3A_292 = vector.shape_cast %get3A_291 : vector<1x16xf32> to vector<16xf32>
              %add3A_293 = arith.addf %while3A_247, %get3A_292 : vector<16xf32>
              %get3A_294 = arith.index_cast %add3A_258 : i32 to index
              %get3A_295 = arith.constant 112 : index
              %get3A_296 = tpu.vector_load %arg7[%get3A_294, %get3A_295] {strides = array<i32>} : memref<64x256xf32, #tpu.memory_space<vmem>>, vector<1x16xf32>,
              %get3A_297 = vector.shape_cast %get3A_296 : vector<1x16xf32> to vector<16xf32>
              %add3A_298 = arith.addf %while3A_248, %get3A_297 : vector<16xf32>
              %get3A_299 = arith.index_cast %add3A_258 : i32 to index
              %get3A_300 = arith.constant 128 : index
              %get3A_301 = tpu.vector_load %arg7[%get3A_299, %get3A_300] {strides = array<i32>} : memref<64x256xf32, #tpu.memory_space<vmem>>, vector<1x16xf32>,
              %get3A_302 = vector.shape_cast %get3A_301 : vector<1x16xf32> to vector<16xf32>
              %add3A_303 = arith.addf %while3A_249, %get3A_302 : vector<16xf32>
              %get3A_304 = arith.index_cast %add3A_258 : i32 to index
              %get3A_305 = arith.constant 144 : index
              %get3A_306 = tpu.vector_load %arg7[%get3A_304, %get3A_305] {strides = array<i32>} : memref<64x256xf32, #tpu.memory_space<vmem>>, vector<1x16xf32>,
              %get3A_307 = vector.shape_cast %get3A_306 : vector<1x16xf32> to vector<16xf32>
              %add3A_308 = arith.addf %while3A_250, %get3A_307 : vector<16xf32>
              %get3A_309 = arith.index_cast %add3A_258 : i32 to index
              %get3A_310 = arith.constant 160 : index
              %get3A_311 = tpu.vector_load %arg7[%get3A_309, %get3A_310] {strides = array<i32>} : memref<64x256xf32, #tpu.memory_space<vmem>>, vector<1x16xf32>,
              %get3A_312 = vector.shape_cast %get3A_311 : vector<1x16xf32> to vector<16xf32>
              %add3A_313 = arith.addf %while3A_251, %get3A_312 : vector<16xf32>
              %get3A_314 = arith.index_cast %add3A_258 : i32 to index
              %get3A_315 = arith.constant 176 : index
              %get3A_316 = tpu.vector_load %arg7[%get3A_314, %get3A_315] {strides = array<i32>} : memref<64x256xf32, #tpu.memory_space<vmem>>, vector<1x16xf32>,
              %get3A_317 = vector.shape_cast %get3A_316 : vector<1x16xf32> to vector<16xf32>
              %add3A_318 = arith.addf %while3A_252, %get3A_317 : vector<16xf32>
              %get3A_319 = arith.index_cast %add3A_258 : i32 to index
              %get3A_320 = arith.constant 192 : index
              %get3A_321 = tpu.vector_load %arg7[%get3A_319, %get3A_320] {strides = array<i32>} : memref<64x256xf32, #tpu.memory_space<vmem>>, vector<1x16xf32>,
              %get3A_322 = vector.shape_cast %get3A_321 : vector<1x16xf32> to vector<16xf32>
              %add3A_323 = arith.addf %while3A_253, %get3A_322 : vector<16xf32>
              %get3A_324 = arith.index_cast %add3A_258 : i32 to index
              %get3A_325 = arith.constant 208 : index
              %get3A_326 = tpu.vector_load %arg7[%get3A_324, %get3A_325] {strides = array<i32>} : memref<64x256xf32, #tpu.memory_space<vmem>>, vector<1x16xf32>,
              %get3A_327 = vector.shape_cast %get3A_326 : vector<1x16xf32> to vector<16xf32>
              %add3A_328 = arith.addf %while3A_254, %get3A_327 : vector<16xf32>
              %get3A_329 = arith.index_cast %add3A_258 : i32 to index
              %get3A_330 = arith.constant 224 : index
              %get3A_331 = tpu.vector_load %arg7[%get3A_329, %get3A_330] {strides = array<i32>} : memref<64x256xf32, #tpu.memory_space<vmem>>, vector<1x16xf32>,
              %get3A_332 = vector.shape_cast %get3A_331 : vector<1x16xf32> to vector<16xf32>
              %add3A_333 = arith.addf %while3A_255, %get3A_332 : vector<16xf32>
              %get3A_334 = arith.index_cast %add3A_258 : i32 to index
              %get3A_335 = arith.constant 240 : index
              %get3A_336 = tpu.vector_load %arg7[%get3A_334, %get3A_335] {strides = array<i32>} : memref<64x256xf32, #tpu.memory_space<vmem>>, vector<1x16xf32>,
              %get3A_337 = vector.shape_cast %get3A_336 : vector<1x16xf32> to vector<16xf32>
              %add3A_338 = arith.addf %while3A_256, %get3A_337 : vector<16xf32>
              scf.yield %add3A_263, %add3A_268, %add3A_273, %add3A_278, %add3A_283, %add3A_288, %add3A_293, %add3A_298, %add3A_303, %add3A_308, %add3A_313, %add3A_318, %add3A_323, %add3A_328, %add3A_333, %add3A_338 : vector<16xf32>, vector<16xf32>, vector<16xf32>, vector<16xf32>, vector<16xf32>, vector<16xf32>, vector<16xf32>, vector<16xf32>, vector<16xf32>, vector<16xf32>, vector<16xf32>, vector<16xf32>, vector<16xf32>, vector<16xf32>, vector<16xf32>, vector<16xf32>
            }
            %swap3A_160 = arith.index_cast %add3A_63 : i32 to index
            %swap3A_161 = arith.constant 0 : index
            %swap3A_162 = tpu.vector_load %arg8[%swap3A_160, %swap3A_161] {strides = array<i32>} : memref<16x256xf32, #tpu.memory_space<vmem>>, vector<1x16xf32>,
            %swap3A_163 = vector.shape_cast %swap3A_162 : vector<1x16xf32> to vector<16xf32>
            %swap3A_164 = vector.shape_cast %while3A_159#0 : vector<16xf32> to vector<1x16xf32>
            tpu.vector_store %arg8[%swap3A_160, %swap3A_161], %swap3A_164 {strides = array<i32>} : memref<16x256xf32, #tpu.memory_space<vmem>>, vector<1x16xf32>,
            %swap3A_165 = arith.index_cast %add3A_63 : i32 to index
            %swap3A_166 = arith.constant 16 : index
            %swap3A_167 = tpu.vector_load %arg8[%swap3A_165, %swap3A_166] {strides = array<i32>} : memref<16x256xf32, #tpu.memory_space<vmem>>, vector<1x16xf32>,
            %swap3A_168 = vector.shape_cast %swap3A_167 : vector<1x16xf32> to vector<16xf32>
            %swap3A_169 = vector.shape_cast %while3A_159#1 : vector<16xf32> to vector<1x16xf32>
            tpu.vector_store %arg8[%swap3A_165, %swap3A_166], %swap3A_169 {strides = array<i32>} : memref<16x256xf32, #tpu.memory_space<vmem>>, vector<1x16xf32>,
            %swap3A_170 = arith.index_cast %add3A_63 : i32 to index
            %swap3A_171 = arith.constant 32 : index
            %swap3A_172 = tpu.vector_load %arg8[%swap3A_170, %swap3A_171] {strides = array<i32>} : memref<16x256xf32, #tpu.memory_space<vmem>>, vector<1x16xf32>,
            %swap3A_173 = vector.shape_cast %swap3A_172 : vector<1x16xf32> to vector<16xf32>
            %swap3A_174 = vector.shape_cast %while3A_159#2 : vector<16xf32> to vector<1x16xf32>
            tpu.vector_store %arg8[%swap3A_170, %swap3A_171], %swap3A_174 {strides = array<i32>} : memref<16x256xf32, #tpu.memory_space<vmem>>, vector<1x16xf32>,
            %swap3A_175 = arith.index_cast %add3A_63 : i32 to index
            %swap3A_176 = arith.constant 48 : index
            %swap3A_177 = tpu.vector_load %arg8[%swap3A_175, %swap3A_176] {strides = array<i32>} : memref<16x256xf32, #tpu.memory_space<vmem>>, vector<1x16xf32>,
            %swap3A_178 = vector.shape_cast %swap3A_177 : vector<1x16xf32> to vector<16xf32>
            %swap3A_179 = vector.shape_cast %while3A_159#3 : vector<16xf32> to vector<1x16xf32>
            tpu.vector_store %arg8[%swap3A_175, %swap3A_176], %swap3A_179 {strides = array<i32>} : memref<16x256xf32, #tpu.memory_space<vmem>>, vector<1x16xf32>,
            %swap3A_180 = arith.index_cast %add3A_63 : i32 to index
            %swap3A_181 = arith.constant 64 : index
            %swap3A_182 = tpu.vector_load %arg8[%swap3A_180, %swap3A_181] {strides = array<i32>} : memref<16x256xf32, #tpu.memory_space<vmem>>, vector<1x16xf32>,
            %swap3A_183 = vector.shape_cast %swap3A_182 : vector<1x16xf32> to vector<16xf32>
            %swap3A_184 = vector.shape_cast %while3A_159#4 : vector<16xf32> to vector<1x16xf32>
            tpu.vector_store %arg8[%swap3A_180, %swap3A_181], %swap3A_184 {strides = array<i32>} : memref<16x256xf32, #tpu.memory_space<vmem>>, vector<1x16xf32>,
            %swap3A_185 = arith.index_cast %add3A_63 : i32 to index
            %swap3A_186 = arith.constant 80 : index
            %swap3A_187 = tpu.vector_load %arg8[%swap3A_185, %swap3A_186] {strides = array<i32>} : memref<16x256xf32, #tpu.memory_space<vmem>>, vector<1x16xf32>,
            %swap3A_188 = vector.shape_cast %swap3A_187 : vector<1x16xf32> to vector<16xf32>
            %swap3A_189 = vector.shape_cast %while3A_159#5 : vector<16xf32> to vector<1x16xf32>
            tpu.vector_store %arg8[%swap3A_185, %swap3A_186], %swap3A_189 {strides = array<i32>} : memref<16x256xf32, #tpu.memory_space<vmem>>, vector<1x16xf32>,
            %swap3A_190 = arith.index_cast %add3A_63 : i32 to index
            %swap3A_191 = arith.constant 96 : index
            %swap3A_192 = tpu.vector_load %arg8[%swap3A_190, %swap3A_191] {strides = array<i32>} : memref<16x256xf32, #tpu.memory_space<vmem>>, vector<1x16xf32>,
            %swap3A_193 = vector.shape_cast %swap3A_192 : vector<1x16xf32> to vector<16xf32>
            %swap3A_194 = vector.shape_cast %while3A_159#6 : vector<16xf32> to vector<1x16xf32>
            tpu.vector_store %arg8[%swap3A_190, %swap3A_191], %swap3A_194 {strides = array<i32>} : memref<16x256xf32, #tpu.memory_space<vmem>>, vector<1x16xf32>,
            %swap3A_195 = arith.index_cast %add3A_63 : i32 to index
            %swap3A_196 = arith.constant 112 : index
            %swap3A_197 = tpu.vector_load %arg8[%swap3A_195, %swap3A_196] {strides = array<i32>} : memref<16x256xf32, #tpu.memory_space<vmem>>, vector<1x16xf32>,
            %swap3A_198 = vector.shape_cast %swap3A_197 : vector<1x16xf32> to vector<16xf32>
            %swap3A_199 = vector.shape_cast %while3A_159#7 : vector<16xf32> to vector<1x16xf32>
            tpu.vector_store %arg8[%swap3A_195, %swap3A_196], %swap3A_199 {strides = array<i32>} : memref<16x256xf32, #tpu.memory_space<vmem>>, vector<1x16xf32>,
            %swap3A_200 = arith.index_cast %add3A_63 : i32 to index
            %swap3A_201 = arith.constant 128 : index
            %swap3A_202 = tpu.vector_load %arg8[%swap3A_200, %swap3A_201] {strides = array<i32>} : memref<16x256xf32, #tpu.memory_space<vmem>>, vector<1x16xf32>,
            %swap3A_203 = vector.shape_cast %swap3A_202 : vector<1x16xf32> to vector<16xf32>
            %swap3A_204 = vector.shape_cast %while3A_159#8 : vector<16xf32> to vector<1x16xf32>
            tpu.vector_store %arg8[%swap3A_200, %swap3A_201], %swap3A_204 {strides = array<i32>} : memref<16x256xf32, #tpu.memory_space<vmem>>, vector<1x16xf32>,
            %swap3A_205 = arith.index_cast %add3A_63 : i32 to index
            %swap3A_206 = arith.constant 144 : index
            %swap3A_207 = tpu.vector_load %arg8[%swap3A_205, %swap3A_206] {strides = array<i32>} : memref<16x256xf32, #tpu.memory_space<vmem>>, vector<1x16xf32>,
            %swap3A_208 = vector.shape_cast %swap3A_207 : vector<1x16xf32> to vector<16xf32>
            %swap3A_209 = vector.shape_cast %while3A_159#9 : vector<16xf32> to vector<1x16xf32>
            tpu.vector_store %arg8[%swap3A_205, %swap3A_206], %swap3A_209 {strides = array<i32>} : memref<16x256xf32, #tpu.memory_space<vmem>>, vector<1x16xf32>,
            %swap3A_210 = arith.index_cast %add3A_63 : i32 to index
            %swap3A_211 = arith.constant 160 : index
            %swap3A_212 = tpu.vector_load %arg8[%swap3A_210, %swap3A_211] {strides = array<i32>} : memref<16x256xf32, #tpu.memory_space<vmem>>, vector<1x16xf32>,
            %swap3A_213 = vector.shape_cast %swap3A_212 : vector<1x16xf32> to vector<16xf32>
            %swap3A_214 = vector.shape_cast %while3A_159#10 : vector<16xf32> to vector<1x16xf32>
            tpu.vector_store %arg8[%swap3A_210, %swap3A_211], %swap3A_214 {strides = array<i32>} : memref<16x256xf32, #tpu.memory_space<vmem>>, vector<1x16xf32>,
            %swap3A_215 = arith.index_cast %add3A_63 : i32 to index
            %swap3A_216 = arith.constant 176 : index
            %swap3A_217 = tpu.vector_load %arg8[%swap3A_215, %swap3A_216] {strides = array<i32>} : memref<16x256xf32, #tpu.memory_space<vmem>>, vector<1x16xf32>,
            %swap3A_218 = vector.shape_cast %swap3A_217 : vector<1x16xf32> to vector<16xf32>
            %swap3A_219 = vector.shape_cast %while3A_159#11 : vector<16xf32> to vector<1x16xf32>
            tpu.vector_store %arg8[%swap3A_215, %swap3A_216], %swap3A_219 {strides = array<i32>} : memref<16x256xf32, #tpu.memory_space<vmem>>, vector<1x16xf32>,
            %swap3A_220 = arith.index_cast %add3A_63 : i32 to index
            %swap3A_221 = arith.constant 192 : index
            %swap3A_222 = tpu.vector_load %arg8[%swap3A_220, %swap3A_221] {strides = array<i32>} : memref<16x256xf32, #tpu.memory_space<vmem>>, vector<1x16xf32>,
            %swap3A_223 = vector.shape_cast %swap3A_222 : vector<1x16xf32> to vector<16xf32>
            %swap3A_224 = vector.shape_cast %while3A_159#12 : vector<16xf32> to vector<1x16xf32>
            tpu.vector_store %arg8[%swap3A_220, %swap3A_221], %swap3A_224 {strides = array<i32>} : memref<16x256xf32, #tpu.memory_space<vmem>>, vector<1x16xf32>,
            %swap3A_225 = arith.index_cast %add3A_63 : i32 to index
            %swap3A_226 = arith.constant 208 : index
            %swap3A_227 = tpu.vector_load %arg8[%swap3A_225, %swap3A_226] {strides = array<i32>} : memref<16x256xf32, #tpu.memory_space<vmem>>, vector<1x16xf32>,
            %swap3A_228 = vector.shape_cast %swap3A_227 : vector<1x16xf32> to vector<16xf32>
            %swap3A_229 = vector.shape_cast %while3A_159#13 : vector<16xf32> to vector<1x16xf32>
            tpu.vector_store %arg8[%swap3A_225, %swap3A_226], %swap3A_229 {strides = array<i32>} : memref<16x256xf32, #tpu.memory_space<vmem>>, vector<1x16xf32>,
            %swap3A_230 = arith.index_cast %add3A_63 : i32 to index
            %swap3A_231 = arith.constant 224 : index
            %swap3A_232 = tpu.vector_load %arg8[%swap3A_230, %swap3A_231] {strides = array<i32>} : memref<16x256xf32, #tpu.memory_space<vmem>>, vector<1x16xf32>,
            %swap3A_233 = vector.shape_cast %swap3A_232 : vector<1x16xf32> to vector<16xf32>
            %swap3A_234 = vector.shape_cast %while3A_159#14 : vector<16xf32> to vector<1x16xf32>
            tpu.vector_store %arg8[%swap3A_230, %swap3A_231], %swap3A_234 {strides = array<i32>} : memref<16x256xf32, #tpu.memory_space<vmem>>, vector<1x16xf32>,
            %swap3A_235 = arith.index_cast %add3A_63 : i32 to index
            %swap3A_236 = arith.constant 240 : index
            %swap3A_237 = tpu.vector_load %arg8[%swap3A_235, %swap3A_236] {strides = array<i32>} : memref<16x256xf32, #tpu.memory_space<vmem>>, vector<1x16xf32>,
            %swap3A_238 = vector.shape_cast %swap3A_237 : vector<1x16xf32> to vector<16xf32>
            %swap3A_239 = vector.shape_cast %while3A_159#15 : vector<16xf32> to vector<1x16xf32>
            tpu.vector_store %arg8[%swap3A_235, %swap3A_236], %swap3A_239 {strides = array<i32>} : memref<16x256xf32, #tpu.memory_space<vmem>>, vector<1x16xf32>,
          } else {
          }
        }
        %scan3A_58 = arith.constant 16 : i32
      } else {
      }
    }
    %scan3A_22 = arith.constant 4 : i32
    "tpu.region"() ({
      %run_scoped3A = tpu.sem_alloc : memref<!tpu.dma_semaphore, #tpu.memory_space<semaphore_mem>>
      %dma_start3A_23 = arith.constant 0 : i32
      %dma_start3A_24 = arith.constant 0 : i32
      %dma_start3A_25 = tpu.memref_slice %arg4[%add3A, %dma_start3A_23, %dma_start3A_24] : memref<32x16x256xf32, #tpu.memory_space<hbm>> -> memref<1x16x256xf32, #tpu.memory_space<hbm>>
      %dma_start3A_26 = tpu.memref_squeeze %dma_start3A_25 : memref<1x16x256xf32, #tpu.memory_space<hbm>> -> memref<16x256xf32, #tpu.memory_space<hbm>>
      %dma_start3A_27 = arith.constant 0 : i32
      %dma_start3A_28 = arith.constant 0 : i32
      %dma_start3A_29 = tpu.memref_slice %arg4[%add3A, %dma_start3A_27, %dma_start3A_28] : memref<32x16x256xf32, #tpu.memory_space<hbm>> -> memref<1x16x256xf32, #tpu.memory_space<hbm>>
      %dma_start3A_30 = tpu.memref_squeeze %dma_start3A_29 : memref<1x16x256xf32, #tpu.memory_space<hbm>> -> memref<16x256xf32, #tpu.memory_space<hbm>>
      tpu.enqueue_dma source(%arg8 : memref<16x256xf32, #tpu.memory_space<vmem>>) target(%dma_start3A_30 : memref<16x256xf32, #tpu.memory_space<hbm>>) target_semaphore(%run_scoped3A : memref<!tpu.dma_semaphore, #tpu.memory_space<semaphore_mem>>)
      %dma_wait3A = arith.constant 0 : i32
      %dma_wait3A_31 = arith.constant 0 : i32
      %dma_wait3A_32 = tpu.memref_slice %arg4[%add3A, %dma_wait3A, %dma_wait3A_31] : memref<32x16x256xf32, #tpu.memory_space<hbm>> -> memref<1x16x256xf32, #tpu.memory_space<hbm>>
      %dma_wait3A_33 = tpu.memref_squeeze %dma_wait3A_32 : memref<1x16x256xf32, #tpu.memory_space<hbm>> -> memref<16x256xf32, #tpu.memory_space<hbm>>
      %dma_wait3A_34 = arith.constant 0 : i32
      %dma_wait3A_35 = arith.constant 0 : i32
      %dma_wait3A_36 = tpu.memref_slice %arg4[%add3A, %dma_wait3A_34, %dma_wait3A_35] : memref<32x16x256xf32, #tpu.memory_space<hbm>> -> memref<1x16x256xf32, #tpu.memory_space<hbm>>
      %dma_wait3A_37 = tpu.memref_squeeze %dma_wait3A_36 : memref<1x16x256xf32, #tpu.memory_space<hbm>> -> memref<16x256xf32, #tpu.memory_space<hbm>>
      tpu.wait_dma2 semaphore(%run_scoped3A : memref<!tpu.dma_semaphore, #tpu.memory_space<semaphore_mem>>) src(%arg8 : memref<16x256xf32, #tpu.memory_space<vmem>>) dst(%dma_wait3A_37 : memref<16x256xf32, #tpu.memory_space<hbm>>)
      tpu.yield
    }) : () -> ()
    return
  }
}

module attributes {stable_mosaic.version = 14 : i64} {
  func.func @_mlp_body(%arg0: memref<17xi32, #tpu.memory_space<smem>>, %arg1: memref<32x16x256xf32, #tpu.memory_space<vmem>>, %arg2: memref<16x256xf32, #tpu.memory_space<vmem>>, %arg3: memref<256x256xf32, #tpu.memory_space<vmem>>, %arg4: memref<1x256xf32, #tpu.memory_space<vmem>>, %arg5: memref<256x256xf32, #tpu.memory_space<vmem>>, %arg6: memref<1x256xf32, #tpu.memory_space<vmem>>, %arg7: memref<16x256xf32, #tpu.memory_space<vmem>>) attributes {dimension_semantics = [], scalar_prefetch = 0 : i64, scratch_operands = 0 : i64, tpu.core_type = #tpu.core_type<tc>} {
    %get3A = arith.constant 0 : index
    %get3A_0 = arith.constant 0 : index
    %get3A_1 = arith.constant 0 : index
    %get3A_2 = vector.load %arg1[%get3A, %get3A_0, %get3A_1] : memref<32x16x256xf32, #tpu.memory_space<vmem>>, vector<32x16x256xf32>
    %reduce_sum3A = arith.constant dense<0.000000e+00> : vector<16x256xf32>
    %reduce_sum3A_3 = vector.multi_reduction <add>, %get3A_2, %reduce_sum3A [0] : vector<32x16x256xf32> to vector<16x256xf32>
    %get3A_4 = arith.constant 0 : index
    %get3A_5 = arith.constant 0 : index
    %get3A_6 = vector.load %arg2[%get3A_4, %get3A_5] : memref<16x256xf32, #tpu.memory_space<vmem>>, vector<16x256xf32>
    %add3A = arith.addf %reduce_sum3A_3, %get3A_6 : vector<16x256xf32>
    %get3A_7 = arith.constant 1 : index
    %get3A_8 = memref.load %arg0[%get3A_7] : memref<17xi32, #tpu.memory_space<smem>>
    %get3A_9 = arith.constant 0 : index
    %get3A_10 = memref.load %arg0[%get3A_9] : memref<17xi32, #tpu.memory_space<smem>>
    %sub3A = arith.subi %get3A_8, %get3A_10 : i32
    %convert_element_type3A = arith.sitofp %sub3A : i32 to f32
    %max3A = arith.constant 1.000000e+00 : f32
    %max3A_11 = arith.maximumf %convert_element_type3A, %max3A : f32
    %div3A = arith.constant 1.000000e+00 : f32
    %div3A_12 = arith.divf %div3A, %max3A_11 : f32
    %broadcast_in_dim3A = vector.broadcast %div3A_12 : f32 to vector<1x256xf32>
    %get3A_13 = arith.constant 2 : index
    %get3A_14 = memref.load %arg0[%get3A_13] : memref<17xi32, #tpu.memory_space<smem>>
    %get3A_15 = arith.constant 1 : index
    %get3A_16 = memref.load %arg0[%get3A_15] : memref<17xi32, #tpu.memory_space<smem>>
    %sub3A_17 = arith.subi %get3A_14, %get3A_16 : i32
    %convert_element_type3A_18 = arith.sitofp %sub3A_17 : i32 to f32
    %max3A_19 = arith.constant 1.000000e+00 : f32
    %max3A_20 = arith.maximumf %convert_element_type3A_18, %max3A_19 : f32
    %div3A_21 = arith.constant 1.000000e+00 : f32
    %div3A_22 = arith.divf %div3A_21, %max3A_20 : f32
    %broadcast_in_dim3A_23 = vector.broadcast %div3A_22 : f32 to vector<1x256xf32>
    %get3A_24 = arith.constant 3 : index
    %get3A_25 = memref.load %arg0[%get3A_24] : memref<17xi32, #tpu.memory_space<smem>>
    %get3A_26 = arith.constant 2 : index
    %get3A_27 = memref.load %arg0[%get3A_26] : memref<17xi32, #tpu.memory_space<smem>>
    %sub3A_28 = arith.subi %get3A_25, %get3A_27 : i32
    %convert_element_type3A_29 = arith.sitofp %sub3A_28 : i32 to f32
    %max3A_30 = arith.constant 1.000000e+00 : f32
    %max3A_31 = arith.maximumf %convert_element_type3A_29, %max3A_30 : f32
    %div3A_32 = arith.constant 1.000000e+00 : f32
    %div3A_33 = arith.divf %div3A_32, %max3A_31 : f32
    %broadcast_in_dim3A_34 = vector.broadcast %div3A_33 : f32 to vector<1x256xf32>
    %get3A_35 = arith.constant 4 : index
    %get3A_36 = memref.load %arg0[%get3A_35] : memref<17xi32, #tpu.memory_space<smem>>
    %get3A_37 = arith.constant 3 : index
    %get3A_38 = memref.load %arg0[%get3A_37] : memref<17xi32, #tpu.memory_space<smem>>
    %sub3A_39 = arith.subi %get3A_36, %get3A_38 : i32
    %convert_element_type3A_40 = arith.sitofp %sub3A_39 : i32 to f32
    %max3A_41 = arith.constant 1.000000e+00 : f32
    %max3A_42 = arith.maximumf %convert_element_type3A_40, %max3A_41 : f32
    %div3A_43 = arith.constant 1.000000e+00 : f32
    %div3A_44 = arith.divf %div3A_43, %max3A_42 : f32
    %broadcast_in_dim3A_45 = vector.broadcast %div3A_44 : f32 to vector<1x256xf32>
    %get3A_46 = arith.constant 5 : index
    %get3A_47 = memref.load %arg0[%get3A_46] : memref<17xi32, #tpu.memory_space<smem>>
    %get3A_48 = arith.constant 4 : index
    %get3A_49 = memref.load %arg0[%get3A_48] : memref<17xi32, #tpu.memory_space<smem>>
    %sub3A_50 = arith.subi %get3A_47, %get3A_49 : i32
    %convert_element_type3A_51 = arith.sitofp %sub3A_50 : i32 to f32
    %max3A_52 = arith.constant 1.000000e+00 : f32
    %max3A_53 = arith.maximumf %convert_element_type3A_51, %max3A_52 : f32
    %div3A_54 = arith.constant 1.000000e+00 : f32
    %div3A_55 = arith.divf %div3A_54, %max3A_53 : f32
    %broadcast_in_dim3A_56 = vector.broadcast %div3A_55 : f32 to vector<1x256xf32>
    %get3A_57 = arith.constant 6 : index
    %get3A_58 = memref.load %arg0[%get3A_57] : memref<17xi32, #tpu.memory_space<smem>>
    %get3A_59 = arith.constant 5 : index
    %get3A_60 = memref.load %arg0[%get3A_59] : memref<17xi32, #tpu.memory_space<smem>>
    %sub3A_61 = arith.subi %get3A_58, %get3A_60 : i32
    %convert_element_type3A_62 = arith.sitofp %sub3A_61 : i32 to f32
    %max3A_63 = arith.constant 1.000000e+00 : f32
    %max3A_64 = arith.maximumf %convert_element_type3A_62, %max3A_63 : f32
    %div3A_65 = arith.constant 1.000000e+00 : f32
    %div3A_66 = arith.divf %div3A_65, %max3A_64 : f32
    %broadcast_in_dim3A_67 = vector.broadcast %div3A_66 : f32 to vector<1x256xf32>
    %get3A_68 = arith.constant 7 : index
    %get3A_69 = memref.load %arg0[%get3A_68] : memref<17xi32, #tpu.memory_space<smem>>
    %get3A_70 = arith.constant 6 : index
    %get3A_71 = memref.load %arg0[%get3A_70] : memref<17xi32, #tpu.memory_space<smem>>
    %sub3A_72 = arith.subi %get3A_69, %get3A_71 : i32
    %convert_element_type3A_73 = arith.sitofp %sub3A_72 : i32 to f32
    %max3A_74 = arith.constant 1.000000e+00 : f32
    %max3A_75 = arith.maximumf %convert_element_type3A_73, %max3A_74 : f32
    %div3A_76 = arith.constant 1.000000e+00 : f32
    %div3A_77 = arith.divf %div3A_76, %max3A_75 : f32
    %broadcast_in_dim3A_78 = vector.broadcast %div3A_77 : f32 to vector<1x256xf32>
    %get3A_79 = arith.constant 8 : index
    %get3A_80 = memref.load %arg0[%get3A_79] : memref<17xi32, #tpu.memory_space<smem>>
    %get3A_81 = arith.constant 7 : index
    %get3A_82 = memref.load %arg0[%get3A_81] : memref<17xi32, #tpu.memory_space<smem>>
    %sub3A_83 = arith.subi %get3A_80, %get3A_82 : i32
    %convert_element_type3A_84 = arith.sitofp %sub3A_83 : i32 to f32
    %max3A_85 = arith.constant 1.000000e+00 : f32
    %max3A_86 = arith.maximumf %convert_element_type3A_84, %max3A_85 : f32
    %div3A_87 = arith.constant 1.000000e+00 : f32
    %div3A_88 = arith.divf %div3A_87, %max3A_86 : f32
    %broadcast_in_dim3A_89 = vector.broadcast %div3A_88 : f32 to vector<1x256xf32>
    %get3A_90 = arith.constant 9 : index
    %get3A_91 = memref.load %arg0[%get3A_90] : memref<17xi32, #tpu.memory_space<smem>>
    %get3A_92 = arith.constant 8 : index
    %get3A_93 = memref.load %arg0[%get3A_92] : memref<17xi32, #tpu.memory_space<smem>>
    %sub3A_94 = arith.subi %get3A_91, %get3A_93 : i32
    %convert_element_type3A_95 = arith.sitofp %sub3A_94 : i32 to f32
    %max3A_96 = arith.constant 1.000000e+00 : f32
    %max3A_97 = arith.maximumf %convert_element_type3A_95, %max3A_96 : f32
    %div3A_98 = arith.constant 1.000000e+00 : f32
    %div3A_99 = arith.divf %div3A_98, %max3A_97 : f32
    %broadcast_in_dim3A_100 = vector.broadcast %div3A_99 : f32 to vector<1x256xf32>
    %get3A_101 = arith.constant 10 : index
    %get3A_102 = memref.load %arg0[%get3A_101] : memref<17xi32, #tpu.memory_space<smem>>
    %get3A_103 = arith.constant 9 : index
    %get3A_104 = memref.load %arg0[%get3A_103] : memref<17xi32, #tpu.memory_space<smem>>
    %sub3A_105 = arith.subi %get3A_102, %get3A_104 : i32
    %convert_element_type3A_106 = arith.sitofp %sub3A_105 : i32 to f32
    %max3A_107 = arith.constant 1.000000e+00 : f32
    %max3A_108 = arith.maximumf %convert_element_type3A_106, %max3A_107 : f32
    %div3A_109 = arith.constant 1.000000e+00 : f32
    %div3A_110 = arith.divf %div3A_109, %max3A_108 : f32
    %broadcast_in_dim3A_111 = vector.broadcast %div3A_110 : f32 to vector<1x256xf32>
    %get3A_112 = arith.constant 11 : index
    %get3A_113 = memref.load %arg0[%get3A_112] : memref<17xi32, #tpu.memory_space<smem>>
    %get3A_114 = arith.constant 10 : index
    %get3A_115 = memref.load %arg0[%get3A_114] : memref<17xi32, #tpu.memory_space<smem>>
    %sub3A_116 = arith.subi %get3A_113, %get3A_115 : i32
    %convert_element_type3A_117 = arith.sitofp %sub3A_116 : i32 to f32
    %max3A_118 = arith.constant 1.000000e+00 : f32
    %max3A_119 = arith.maximumf %convert_element_type3A_117, %max3A_118 : f32
    %div3A_120 = arith.constant 1.000000e+00 : f32
    %div3A_121 = arith.divf %div3A_120, %max3A_119 : f32
    %broadcast_in_dim3A_122 = vector.broadcast %div3A_121 : f32 to vector<1x256xf32>
    %get3A_123 = arith.constant 12 : index
    %get3A_124 = memref.load %arg0[%get3A_123] : memref<17xi32, #tpu.memory_space<smem>>
    %get3A_125 = arith.constant 11 : index
    %get3A_126 = memref.load %arg0[%get3A_125] : memref<17xi32, #tpu.memory_space<smem>>
    %sub3A_127 = arith.subi %get3A_124, %get3A_126 : i32
    %convert_element_type3A_128 = arith.sitofp %sub3A_127 : i32 to f32
    %max3A_129 = arith.constant 1.000000e+00 : f32
    %max3A_130 = arith.maximumf %convert_element_type3A_128, %max3A_129 : f32
    %div3A_131 = arith.constant 1.000000e+00 : f32
    %div3A_132 = arith.divf %div3A_131, %max3A_130 : f32
    %broadcast_in_dim3A_133 = vector.broadcast %div3A_132 : f32 to vector<1x256xf32>
    %get3A_134 = arith.constant 13 : index
    %get3A_135 = memref.load %arg0[%get3A_134] : memref<17xi32, #tpu.memory_space<smem>>
    %get3A_136 = arith.constant 12 : index
    %get3A_137 = memref.load %arg0[%get3A_136] : memref<17xi32, #tpu.memory_space<smem>>
    %sub3A_138 = arith.subi %get3A_135, %get3A_137 : i32
    %convert_element_type3A_139 = arith.sitofp %sub3A_138 : i32 to f32
    %max3A_140 = arith.constant 1.000000e+00 : f32
    %max3A_141 = arith.maximumf %convert_element_type3A_139, %max3A_140 : f32
    %div3A_142 = arith.constant 1.000000e+00 : f32
    %div3A_143 = arith.divf %div3A_142, %max3A_141 : f32
    %broadcast_in_dim3A_144 = vector.broadcast %div3A_143 : f32 to vector<1x256xf32>
    %get3A_145 = arith.constant 14 : index
    %get3A_146 = memref.load %arg0[%get3A_145] : memref<17xi32, #tpu.memory_space<smem>>
    %get3A_147 = arith.constant 13 : index
    %get3A_148 = memref.load %arg0[%get3A_147] : memref<17xi32, #tpu.memory_space<smem>>
    %sub3A_149 = arith.subi %get3A_146, %get3A_148 : i32
    %convert_element_type3A_150 = arith.sitofp %sub3A_149 : i32 to f32
    %max3A_151 = arith.constant 1.000000e+00 : f32
    %max3A_152 = arith.maximumf %convert_element_type3A_150, %max3A_151 : f32
    %div3A_153 = arith.constant 1.000000e+00 : f32
    %div3A_154 = arith.divf %div3A_153, %max3A_152 : f32
    %broadcast_in_dim3A_155 = vector.broadcast %div3A_154 : f32 to vector<1x256xf32>
    %get3A_156 = arith.constant 15 : index
    %get3A_157 = memref.load %arg0[%get3A_156] : memref<17xi32, #tpu.memory_space<smem>>
    %get3A_158 = arith.constant 14 : index
    %get3A_159 = memref.load %arg0[%get3A_158] : memref<17xi32, #tpu.memory_space<smem>>
    %sub3A_160 = arith.subi %get3A_157, %get3A_159 : i32
    %convert_element_type3A_161 = arith.sitofp %sub3A_160 : i32 to f32
    %max3A_162 = arith.constant 1.000000e+00 : f32
    %max3A_163 = arith.maximumf %convert_element_type3A_161, %max3A_162 : f32
    %div3A_164 = arith.constant 1.000000e+00 : f32
    %div3A_165 = arith.divf %div3A_164, %max3A_163 : f32
    %broadcast_in_dim3A_166 = vector.broadcast %div3A_165 : f32 to vector<1x256xf32>
    %get3A_167 = arith.constant 16 : index
    %get3A_168 = memref.load %arg0[%get3A_167] : memref<17xi32, #tpu.memory_space<smem>>
    %get3A_169 = arith.constant 15 : index
    %get3A_170 = memref.load %arg0[%get3A_169] : memref<17xi32, #tpu.memory_space<smem>>
    %sub3A_171 = arith.subi %get3A_168, %get3A_170 : i32
    %convert_element_type3A_172 = arith.sitofp %sub3A_171 : i32 to f32
    %max3A_173 = arith.constant 1.000000e+00 : f32
    %max3A_174 = arith.maximumf %convert_element_type3A_172, %max3A_173 : f32
    %div3A_175 = arith.constant 1.000000e+00 : f32
    %div3A_176 = arith.divf %div3A_175, %max3A_174 : f32
    %broadcast_in_dim3A_177 = vector.broadcast %div3A_176 : f32 to vector<1x256xf32>
    %concatenate3A = tpu.concatenate %broadcast_in_dim3A, %broadcast_in_dim3A_23, %broadcast_in_dim3A_34, %broadcast_in_dim3A_45, %broadcast_in_dim3A_56, %broadcast_in_dim3A_67, %broadcast_in_dim3A_78, %broadcast_in_dim3A_89, %broadcast_in_dim3A_100, %broadcast_in_dim3A_111, %broadcast_in_dim3A_122, %broadcast_in_dim3A_133, %broadcast_in_dim3A_144, %broadcast_in_dim3A_155, %broadcast_in_dim3A_166, %broadcast_in_dim3A_177 in 0 : vector<1x256xf32>, vector<1x256xf32>, vector<1x256xf32>, vector<1x256xf32>, vector<1x256xf32>, vector<1x256xf32>, vector<1x256xf32>, vector<1x256xf32>, vector<1x256xf32>, vector<1x256xf32>, vector<1x256xf32>, vector<1x256xf32>, vector<1x256xf32>, vector<1x256xf32>, vector<1x256xf32>, vector<1x256xf32> -> vector<16x256xf32>
    %mul3A = arith.mulf %add3A, %concatenate3A : vector<16x256xf32>
    %get3A_178 = arith.constant 0 : index
    %get3A_179 = arith.constant 0 : index
    %get3A_180 = vector.load %arg3[%get3A_178, %get3A_179] : memref<256x256xf32, #tpu.memory_space<vmem>>, vector<256x256xf32>
    %dot_general3A = arith.constant dense<0.000000e+00> : vector<16x256xf32>
    %dot_general3A_181 = tpu.matmul %mul3A, %get3A_180, %dot_general3A {dimension_numbers = #tpu.dot_dimension_numbers<[1], [0], [0], [1], [0, 0, 1, 1], [], []>, precision = #tpu.contract_precision<fp32>, transpose_lhs_hint = false} : vector<16x256xf32>, vector<256x256xf32>, vector<16x256xf32> -> vector<16x256xf32>
    %get3A_182 = arith.constant 0 : index
    %get3A_183 = arith.constant 0 : index
    %get3A_184 = vector.load %arg4[%get3A_182, %get3A_183] : memref<1x256xf32, #tpu.memory_space<vmem>>, vector<1x256xf32>
    %add3A_185 = vector.broadcast %get3A_184 : vector<1x256xf32> to vector<16x256xf32>
    %add3A_186 = arith.addf %dot_general3A_181, %add3A_185 : vector<16x256xf32>
    %max3A_187 = arith.constant 0.000000e+00 : f32
    %max3A_188 = vector.broadcast %max3A_187 : f32 to vector<16x256xf32>
    %max3A_189 = arith.maximumf %add3A_186, %max3A_188 : vector<16x256xf32>
    %get3A_190 = arith.constant 0 : index
    %get3A_191 = arith.constant 0 : index
    %get3A_192 = vector.load %arg5[%get3A_190, %get3A_191] : memref<256x256xf32, #tpu.memory_space<vmem>>, vector<256x256xf32>
    %dot_general3A_193 = arith.constant dense<0.000000e+00> : vector<16x256xf32>
    %dot_general3A_194 = tpu.matmul %max3A_189, %get3A_192, %dot_general3A_193 {dimension_numbers = #tpu.dot_dimension_numbers<[1], [0], [0], [1], [0, 0, 1, 1], [], []>, precision = #tpu.contract_precision<fp32>, transpose_lhs_hint = false} : vector<16x256xf32>, vector<256x256xf32>, vector<16x256xf32> -> vector<16x256xf32>
    %get3A_195 = arith.constant 0 : index
    %get3A_196 = arith.constant 0 : index
    %get3A_197 = vector.load %arg6[%get3A_195, %get3A_196] : memref<1x256xf32, #tpu.memory_space<vmem>>, vector<1x256xf32>
    %add3A_198 = vector.broadcast %get3A_197 : vector<1x256xf32> to vector<16x256xf32>
    %add3A_199 = arith.addf %dot_general3A_194, %add3A_198 : vector<16x256xf32>
    %swap3A = arith.constant 0 : index
    %swap3A_200 = arith.constant 0 : index
    %swap3A_201 = vector.load %arg7[%swap3A, %swap3A_200] : memref<16x256xf32, #tpu.memory_space<vmem>>, vector<16x256xf32>
    tpu.vector_store %arg7[%swap3A, %swap3A_200], %add3A_199 {strides = array<i32>} : memref<16x256xf32, #tpu.memory_space<vmem>>, vector<16x256xf32>,
    return
  }
}

module attributes {stable_mosaic.version = 14 : i64} {
  func.func @_tc_segsum_body(%arg0: i32, %arg1: memref<17xi32, #tpu.memory_space<smem>>, %arg2: memref<2048x256xf32, #tpu.memory_space<vmem>>, %arg3: memref<16x256xf32, #tpu.memory_space<vmem>>) attributes {dimension_semantics = [#tpu.dimension_semantics<arbitrary>], iteration_bounds = array<i64: 9>, scalar_prefetch = 0 : i64, scratch_operands = 0 : i64, tpu.core_type = #tpu.core_type<tc>, window_params = [{transform_indices = @transform_0, window_bounds = array<i64: 17>}, {transform_indices = @transform_1, window_bounds = array<i64: 2048, 256>}, {pipeline_mode = #tpu.pipeline_mode<synchronous>, transform_indices = @transform_2, window_bounds = array<i64: 16, 256>}]} {
    %iota3A = tpu.iota {dimensions = array<i32: 1>} : vector<1x2048xi32>
    %mul3A = arith.constant 2048 : i32
    %mul3A_0 = arith.muli %arg0, %mul3A : i32
    %add3A = vector.broadcast %mul3A_0 : i32 to vector<1x2048xi32>
    %add3A_1 = arith.addi %iota3A, %add3A : vector<1x2048xi32>
    %broadcast_in_dim3A = arith.constant 0 : i32
    %broadcast_in_dim3A_2 = vector.broadcast %broadcast_in_dim3A : i32 to vector<1x2048xi32>
    %get3A = arith.constant 1 : index
    %get3A_3 = memref.load %arg1[%get3A] : memref<17xi32, #tpu.memory_space<smem>>
    %ge3A = vector.broadcast %get3A_3 : i32 to vector<1x2048xi32>
    %ge3A_4 = arith.cmpi sge, %add3A_1, %ge3A : vector<1x2048xi32>
    %convert_element_type3A = arith.extui %ge3A_4 : vector<1x2048xi1> to vector<1x2048xi32>
    %add3A_5 = arith.addi %broadcast_in_dim3A_2, %convert_element_type3A : vector<1x2048xi32>
    %get3A_6 = arith.constant 2 : index
    %get3A_7 = memref.load %arg1[%get3A_6] : memref<17xi32, #tpu.memory_space<smem>>
    %ge3A_8 = vector.broadcast %get3A_7 : i32 to vector<1x2048xi32>
    %ge3A_9 = arith.cmpi sge, %add3A_1, %ge3A_8 : vector<1x2048xi32>
    %convert_element_type3A_10 = arith.extui %ge3A_9 : vector<1x2048xi1> to vector<1x2048xi32>
    %add3A_11 = arith.addi %add3A_5, %convert_element_type3A_10 : vector<1x2048xi32>
    %get3A_12 = arith.constant 3 : index
    %get3A_13 = memref.load %arg1[%get3A_12] : memref<17xi32, #tpu.memory_space<smem>>
    %ge3A_14 = vector.broadcast %get3A_13 : i32 to vector<1x2048xi32>
    %ge3A_15 = arith.cmpi sge, %add3A_1, %ge3A_14 : vector<1x2048xi32>
    %convert_element_type3A_16 = arith.extui %ge3A_15 : vector<1x2048xi1> to vector<1x2048xi32>
    %add3A_17 = arith.addi %add3A_11, %convert_element_type3A_16 : vector<1x2048xi32>
    %get3A_18 = arith.constant 4 : index
    %get3A_19 = memref.load %arg1[%get3A_18] : memref<17xi32, #tpu.memory_space<smem>>
    %ge3A_20 = vector.broadcast %get3A_19 : i32 to vector<1x2048xi32>
    %ge3A_21 = arith.cmpi sge, %add3A_1, %ge3A_20 : vector<1x2048xi32>
    %convert_element_type3A_22 = arith.extui %ge3A_21 : vector<1x2048xi1> to vector<1x2048xi32>
    %add3A_23 = arith.addi %add3A_17, %convert_element_type3A_22 : vector<1x2048xi32>
    %get3A_24 = arith.constant 5 : index
    %get3A_25 = memref.load %arg1[%get3A_24] : memref<17xi32, #tpu.memory_space<smem>>
    %ge3A_26 = vector.broadcast %get3A_25 : i32 to vector<1x2048xi32>
    %ge3A_27 = arith.cmpi sge, %add3A_1, %ge3A_26 : vector<1x2048xi32>
    %convert_element_type3A_28 = arith.extui %ge3A_27 : vector<1x2048xi1> to vector<1x2048xi32>
    %add3A_29 = arith.addi %add3A_23, %convert_element_type3A_28 : vector<1x2048xi32>
    %get3A_30 = arith.constant 6 : index
    %get3A_31 = memref.load %arg1[%get3A_30] : memref<17xi32, #tpu.memory_space<smem>>
    %ge3A_32 = vector.broadcast %get3A_31 : i32 to vector<1x2048xi32>
    %ge3A_33 = arith.cmpi sge, %add3A_1, %ge3A_32 : vector<1x2048xi32>
    %convert_element_type3A_34 = arith.extui %ge3A_33 : vector<1x2048xi1> to vector<1x2048xi32>
    %add3A_35 = arith.addi %add3A_29, %convert_element_type3A_34 : vector<1x2048xi32>
    %get3A_36 = arith.constant 7 : index
    %get3A_37 = memref.load %arg1[%get3A_36] : memref<17xi32, #tpu.memory_space<smem>>
    %ge3A_38 = vector.broadcast %get3A_37 : i32 to vector<1x2048xi32>
    %ge3A_39 = arith.cmpi sge, %add3A_1, %ge3A_38 : vector<1x2048xi32>
    %convert_element_type3A_40 = arith.extui %ge3A_39 : vector<1x2048xi1> to vector<1x2048xi32>
    %add3A_41 = arith.addi %add3A_35, %convert_element_type3A_40 : vector<1x2048xi32>
    %get3A_42 = arith.constant 8 : index
    %get3A_43 = memref.load %arg1[%get3A_42] : memref<17xi32, #tpu.memory_space<smem>>
    %ge3A_44 = vector.broadcast %get3A_43 : i32 to vector<1x2048xi32>
    %ge3A_45 = arith.cmpi sge, %add3A_1, %ge3A_44 : vector<1x2048xi32>
    %convert_element_type3A_46 = arith.extui %ge3A_45 : vector<1x2048xi1> to vector<1x2048xi32>
    %add3A_47 = arith.addi %add3A_41, %convert_element_type3A_46 : vector<1x2048xi32>
    %get3A_48 = arith.constant 9 : index
    %get3A_49 = memref.load %arg1[%get3A_48] : memref<17xi32, #tpu.memory_space<smem>>
    %ge3A_50 = vector.broadcast %get3A_49 : i32 to vector<1x2048xi32>
    %ge3A_51 = arith.cmpi sge, %add3A_1, %ge3A_50 : vector<1x2048xi32>
    %convert_element_type3A_52 = arith.extui %ge3A_51 : vector<1x2048xi1> to vector<1x2048xi32>
    %add3A_53 = arith.addi %add3A_47, %convert_element_type3A_52 : vector<1x2048xi32>
    %get3A_54 = arith.constant 10 : index
    %get3A_55 = memref.load %arg1[%get3A_54] : memref<17xi32, #tpu.memory_space<smem>>
    %ge3A_56 = vector.broadcast %get3A_55 : i32 to vector<1x2048xi32>
    %ge3A_57 = arith.cmpi sge, %add3A_1, %ge3A_56 : vector<1x2048xi32>
    %convert_element_type3A_58 = arith.extui %ge3A_57 : vector<1x2048xi1> to vector<1x2048xi32>
    %add3A_59 = arith.addi %add3A_53, %convert_element_type3A_58 : vector<1x2048xi32>
    %get3A_60 = arith.constant 11 : index
    %get3A_61 = memref.load %arg1[%get3A_60] : memref<17xi32, #tpu.memory_space<smem>>
    %ge3A_62 = vector.broadcast %get3A_61 : i32 to vector<1x2048xi32>
    %ge3A_63 = arith.cmpi sge, %add3A_1, %ge3A_62 : vector<1x2048xi32>
    %convert_element_type3A_64 = arith.extui %ge3A_63 : vector<1x2048xi1> to vector<1x2048xi32>
    %add3A_65 = arith.addi %add3A_59, %convert_element_type3A_64 : vector<1x2048xi32>
    %get3A_66 = arith.constant 12 : index
    %get3A_67 = memref.load %arg1[%get3A_66] : memref<17xi32, #tpu.memory_space<smem>>
    %ge3A_68 = vector.broadcast %get3A_67 : i32 to vector<1x2048xi32>
    %ge3A_69 = arith.cmpi sge, %add3A_1, %ge3A_68 : vector<1x2048xi32>
    %convert_element_type3A_70 = arith.extui %ge3A_69 : vector<1x2048xi1> to vector<1x2048xi32>
    %add3A_71 = arith.addi %add3A_65, %convert_element_type3A_70 : vector<1x2048xi32>
    %get3A_72 = arith.constant 13 : index
    %get3A_73 = memref.load %arg1[%get3A_72] : memref<17xi32, #tpu.memory_space<smem>>
    %ge3A_74 = vector.broadcast %get3A_73 : i32 to vector<1x2048xi32>
    %ge3A_75 = arith.cmpi sge, %add3A_1, %ge3A_74 : vector<1x2048xi32>
    %convert_element_type3A_76 = arith.extui %ge3A_75 : vector<1x2048xi1> to vector<1x2048xi32>
    %add3A_77 = arith.addi %add3A_71, %convert_element_type3A_76 : vector<1x2048xi32>
    %get3A_78 = arith.constant 14 : index
    %get3A_79 = memref.load %arg1[%get3A_78] : memref<17xi32, #tpu.memory_space<smem>>
    %ge3A_80 = vector.broadcast %get3A_79 : i32 to vector<1x2048xi32>
    %ge3A_81 = arith.cmpi sge, %add3A_1, %ge3A_80 : vector<1x2048xi32>
    %convert_element_type3A_82 = arith.extui %ge3A_81 : vector<1x2048xi1> to vector<1x2048xi32>
    %add3A_83 = arith.addi %add3A_77, %convert_element_type3A_82 : vector<1x2048xi32>
    %get3A_84 = arith.constant 15 : index
    %get3A_85 = memref.load %arg1[%get3A_84] : memref<17xi32, #tpu.memory_space<smem>>
    %ge3A_86 = vector.broadcast %get3A_85 : i32 to vector<1x2048xi32>
    %ge3A_87 = arith.cmpi sge, %add3A_1, %ge3A_86 : vector<1x2048xi32>
    %convert_element_type3A_88 = arith.extui %ge3A_87 : vector<1x2048xi1> to vector<1x2048xi32>
    %add3A_89 = arith.addi %add3A_83, %convert_element_type3A_88 : vector<1x2048xi32>
    %iota3A_90 = tpu.iota {dimensions = array<i32: 0>} : vector<16x2048xi32>
    %eq3A = vector.broadcast %add3A_89 : vector<1x2048xi32> to vector<16x2048xi32>
    %eq3A_91 = arith.cmpi eq, %iota3A_90, %eq3A : vector<16x2048xi32>
    %convert_element_type3A_92 = arith.extui %eq3A_91 : vector<16x2048xi1> to vector<16x2048xi32>
    %convert_element_type3A_93 = arith.sitofp %convert_element_type3A_92 : vector<16x2048xi32> to vector<16x2048xf32>
    %get3A_94 = arith.constant 0 : index
    %get3A_95 = arith.constant 0 : index
    %get3A_96 = vector.load %arg2[%get3A_94, %get3A_95] : memref<2048x256xf32, #tpu.memory_space<vmem>>, vector<2048x256xf32>
    %dot_general3A = arith.constant dense<0.000000e+00> : vector<16x256xf32>
    %dot_general3A_97 = tpu.matmul %convert_element_type3A_93, %get3A_96, %dot_general3A {dimension_numbers = #tpu.dot_dimension_numbers<[1], [0], [0], [1], [0, 0, 1, 1], [], []>, precision = #tpu.contract_precision<fp32>, transpose_lhs_hint = false} : vector<16x2048xf32>, vector<2048x256xf32>, vector<16x256xf32> -> vector<16x256xf32>
    %eq3A_98 = arith.constant 0 : i32
    %eq3A_99 = arith.cmpi eq, %arg0, %eq3A_98 : i32
    %convert_element_type3A_100 = arith.extui %eq3A_99 : i1 to i32
    %cond3A = arith.constant 0 : i32
    %cond3A_101 = arith.cmpi ne, %convert_element_type3A_100, %cond3A : i32
    scf.if %cond3A_101 {
      %swap3A = arith.constant 0 : index
      %swap3A_106 = arith.constant 0 : index
      %swap3A_107 = vector.load %arg3[%swap3A, %swap3A_106] : memref<16x256xf32, #tpu.memory_space<vmem>>, vector<16x256xf32>
      tpu.vector_store %arg3[%swap3A, %swap3A_106], %dot_general3A_97 {strides = array<i32>} : memref<16x256xf32, #tpu.memory_space<vmem>>, vector<16x256xf32>,
    } else {
    }
    %gt3A = arith.constant 0 : i32
    %gt3A_102 = arith.cmpi sgt, %arg0, %gt3A : i32
    %convert_element_type3A_103 = arith.extui %gt3A_102 : i1 to i32
    %cond3A_104 = arith.constant 0 : i32
    %cond3A_105 = arith.cmpi ne, %convert_element_type3A_103, %cond3A_104 : i32
    scf.if %cond3A_105 {
      %get3A_106 = arith.constant 0 : index
      %get3A_107 = arith.constant 0 : index
      %get3A_108 = vector.load %arg3[%get3A_106, %get3A_107] : memref<16x256xf32, #tpu.memory_space<vmem>>, vector<16x256xf32>
      %add3A_109 = arith.addf %get3A_108, %dot_general3A_97 : vector<16x256xf32>
      %swap3A = arith.constant 0 : index
      %swap3A_110 = arith.constant 0 : index
      %swap3A_111 = vector.load %arg3[%swap3A, %swap3A_110] : memref<16x256xf32, #tpu.memory_space<vmem>>, vector<16x256xf32>
      tpu.vector_store %arg3[%swap3A, %swap3A_110], %add3A_109 {strides = array<i32>} : memref<16x256xf32, #tpu.memory_space<vmem>>, vector<16x256xf32>,
    } else {
    }
    return
  }
  func.func @transform_0(%arg0: i32) -> i32 {
    %c0_i32 = arith.constant 0 : i32
    %c0_i32_0 = arith.constant 0 : i32
    return %c0_i32 : i32
  }
  func.func @transform_1(%arg0: i32) -> (i32, i32) {
    %c0_i32 = arith.constant 0 : i32
    %c0_i32_0 = arith.constant 0 : i32
    return %arg0, %c0_i32 : i32, i32
  }
  func.func @transform_2(%arg0: i32) -> (i32, i32) {
    %c0_i32 = arith.constant 0 : i32
    %c0_i32_0 = arith.constant 0 : i32
    %c0_i32_1 = arith.constant 0 : i32
    return %c0_i32, %c0_i32_0 : i32, i32
  }
}

</mosaic_0001>

<sc_bundles>
// kernel: kernel.5.cloned.1.call-start
scs
__scs_entry_jumppad:
0x0: {  	(pc) =	sbr.rel $0x88, $3  }
0x1: {  	(tag) =	ssettag $0x0;
	lr =	simm.s32 $0x1  }
0x2: {  	[smem:$0x3F9B] =	sst lr;
	_ =	strace $0xD0000000  }
0x3: {  	_ = 	snop  }
0x4: {  	_ = 	snop  }
0x5: {  	_ = 	snop  }
0x6: {  	_ = 	snop  }
0x7: {  	_ = 	snop  }
__scs_overlays_trampoline_lowered:
0x8: {  	[smem:$0x3FAA] =	sst s0  }
0x9: {  	[smem:$0x3FAB] =	sst s1  }
0xa: {  	[smem:$0x3FAC] =	sst s2  }
0xb: {  	[smem:$0x3FAD] =	sst s3  }
0xc: {  	[smem:$0x3FAE] =	sst s4  }
0xd: {  	[smem:$0x3FAF] =	sst s5  }
0xe: {  	[smem:$0x3FB0] =	sst s6  }
0xf: {  	[smem:$0x3FB1] =	sst s7  }
0x10: {  	[smem:$0x3FB2] =	sst s8  }
0x11: {  	[smem:$0x3FB3] =	sst s9;
	s0 =	simm.s32 @!p0 $0x0  }
0x12: {  	s1 =	sld [smem:$0x3F99];
	s0 =	simm.s32 @p0 $0x1  }
0x13: {  	[smem:$0x3FB4] =	sst s0;
	s0 =	simm.s32 @!p1 $0x0  }
0x14: {  	s2 =	sld [smem:$0x3F98];
	s0 =	simm.s32 @p1 $0x1  }
0x15: {  	[smem:$0x3FB5] =	sst s0;
	s0 =	simm.s32 @!p2 $0x0  }
0x16: {  	s3 =	sld [smem:$0x3FDB];
	s0 =	simm.s32 @p2 $0x1  }
0x17: {  	s4 =	simm.s32 $0x1BF5;
	[smem:$0x3FB7] =	sst s0  }
0x18: {  	s0 =	sld [smem:$0x3F9A];
	_ =	swait.ge [sflag:s4], $0x0  }
0x19: {  	s7 =	sld [smem:$0x3F9B]  }
0x1a: {  	s8 =	sadd.s32 $0xFFFFE003, lr  }
0x1b: {  	s9 =	sadd.s32 $0xFFFFFEF7, lr;
	s5 =	simm.s32 $0xFFFFFFFF;
	p2 =	slt.u32 s8, $0xFFFFF086  }
0x1c: {  	p1 =	slt.u32 s9, $0xF7A;
	s5 =	simm.s32 @!p2 $0x0  }
0x1d: {  	s5 =	simm.s32 @p1 $0x1;
	p0 =	seq.s32 s7, s2  }
0x1e: {  	s7 =	smul.u32 @!p0 $0xF7A, s2;
	p2 =	seq.s32 @!p0 s5, $0x0  }
0x1f: {  	s9 =	smul.u32 $0xF7A, s1;
	s8 =	simm.s32 @!p0 $0x1BF5;
	p2 =	por !p2, p0  }
0x20: {  	[sflag:s8] =	ssyncset.s32 @!p0 $0xFFFFF086;
	s6 =	sadd.s32 @!p0 s3, s7;
	s7 =	simm.s32 @!p0 $0x108  }
0x21: {  	s3 =	sadd.s32 s3, s9;
	s6 =	sadd.s32 @!p0 $0x88, s6;
	s7 =	simm.s32 @p2 $0x1082  }
0x22: {  	[simem:s7], [sflag:s8] =	dma.local @!p0 [hbm:s6], $0xF7A  }
0x23: {  	s9 =	sor.u32 $0xD0000000, s2;
	s6 =	simm.s32 $0x108;
	_ =	swait.ge @!p0 [sflag:s8], $0x0  }
0x24: {  	s3 =	sadd.s32 $0x88, s3;
	s6 =	simm.s32 @!p1 $0x1082;
	[sflag:s4] =	ssyncset.s32 $0xFFFFF086  }
0x25: {  	[simem:s6], [sflag:s4] =	dma.local [hbm:s3], $0xF7A  }
0x26: {  	[smem:$0x3F9B] =	sst s1;
	(tag) =	ssettag s2;
	_ =	strace s9  }
0x27: {  	s1 =	sld [smem:$0x3FAB]  }
0x28: {  	s2 =	sld [smem:$0x3FAC]  }
0x29: {  	s4 =	sld [smem:$0x3FAE]  }
0x2a: {  	p0 =	seq.s32 s5, $0x0;
	s5 =	sld [smem:$0x3FAF]  }
0x2b: {  	s6 =	sld [smem:$0x3FB0]  }
0x2c: {  	s7 =	sld [smem:$0x3FB1]  }
0x2d: {  	s3 =	simm.s32 $0x108;
	s8 =	sld [smem:$0x3FB2]  }
0x2e: {  	s3 =	simm.s32 @!p0 $0x1082;
	s9 =	sld [smem:$0x3FB3]  }
0x2f: {  	lr =	sadd.s32 s0, s3;
	s0 =	sld [smem:$0x3FAA]  }
0x30: {  	s3 =	sld [smem:$0x3FAD]  }
0x31: {  	[smem:$0x3FB6] =	sst s10  }
0x32: {  	s10 =	sld [smem:$0x3FB4];
	_ =	sdelay $0x3  }
0x33: {  	p0 =	seq.s32 s10, $0x1;
	s10 =	sld [smem:$0x3FB6];
	_ =	sdelay $0x3  }
0x34: {  	[smem:$0x3FB6] =	sst s10  }
0x35: {  	s10 =	sld [smem:$0x3FB5];
	_ =	sdelay $0x3  }
0x36: {  	p1 =	seq.s32 s10, $0x1;
	s10 =	sld [smem:$0x3FB6];
	_ =	sdelay $0x3  }
0x37: {  	[smem:$0x3FB6] =	sst s10  }
0x38: {  	s10 =	sld [smem:$0x3FB7]  }
0x39: {  	_ = 	snop;
	(pc) =	sbr.ind lr, $3  }
0x3a: {  	_ = 	snop  }
0x3b: {  	_ = 	snop  }
0x3c: {  	p2 =	seq.s32 s10, $0x1;
	s10 =	sld [smem:$0x3FB6]  }
0x3d: {  	_ =	shalt  }
0x3e: {  	_ =	shalt  }
0x3f: {  	_ =	shalt  }
0x40: {  	_ =	shalt  }
0x41: {  	_ =	shalt  }
0x42: {  	_ =	shalt  }
0x43: {  	_ =	shalt  }
0x44: {  	_ =	shalt  }
0x45: {  	_ =	shalt  }
0x46: {  	_ =	shalt  }
0x47: {  	_ =	shalt  }
0x48: {  	_ =	shalt  }
0x49: {  	_ =	shalt  }
0x4a: {  	_ =	shalt  }
0x4b: {  	_ =	shalt  }
0x4c: {  	_ =	shalt  }
0x4d: {  	_ =	shalt  }
0x4e: {  	_ =	shalt  }
0x4f: {  	_ =	shalt  }
0x50: {  	_ =	shalt  }
0x51: {  	_ =	shalt  }
0x52: {  	_ =	shalt  }
0x53: {  	_ =	shalt  }
0x54: {  	_ =	shalt  }
0x55: {  	_ =	shalt  }
0x56: {  	_ =	shalt  }
0x57: {  	_ =	shalt  }
0x58: {  	_ =	shalt  }
0x59: {  	_ =	shalt  }
0x5a: {  	_ =	shalt  }
0x5b: {  	_ =	shalt  }
0x5c: {  	_ =	shalt  }
0x5d: {  	_ =	shalt  }
0x5e: {  	_ =	shalt  }
0x5f: {  	_ =	shalt  }
0x60: {  	_ =	shalt  }
0x61: {  	_ =	shalt  }
0x62: {  	_ =	shalt  }
0x63: {  	_ =	shalt  }
0x64: {  	_ =	shalt  }
0x65: {  	_ =	shalt  }
0x66: {  	_ =	shalt  }
0x67: {  	_ =	shalt  }
0x68: {  	_ =	shalt  }
0x69: {  	_ =	shalt  }
0x6a: {  	_ =	shalt  }
0x6b: {  	_ =	shalt  }
0x6c: {  	_ =	shalt  }
0x6d: {  	_ =	shalt  }
0x6e: {  	_ =	shalt  }
0x6f: {  	_ =	shalt  }
0x70: {  	_ =	shalt  }
0x71: {  	_ =	shalt  }
0x72: {  	_ =	shalt  }
0x73: {  	_ =	shalt  }
0x74: {  	_ =	shalt  }
0x75: {  	_ =	shalt  }
0x76: {  	_ =	shalt  }
0x77: {  	_ =	shalt  }
0x78: {  	_ =	shalt  }
0x79: {  	_ =	shalt  }
0x7a: {  	_ =	shalt  }
0x7b: {  	_ =	shalt  }
0x7c: {  	_ =	shalt  }
0x7d: {  	_ =	shalt  }
0x7e: {  	_ =	shalt  }
0x7f: {  	_ =	shalt  }
0x80: {  	_ =	shalt  }
0x81: {  	_ =	shalt  }
0x82: {  	_ =	shalt  }
0x83: {  	_ =	shalt  }
0x84: {  	_ =	shalt  }
0x85: {  	_ =	shalt  }
0x86: {  	_ =	shalt  }
0x87: {  	_ =	shalt  }
.Lfunc_end0:
.L_simem_size_0:
called_computation_lowered:
.L_overlay_start_0:
0x88: {  	s2 =	sld [smem:$0x3FD9]  }
0x89: {  	s3 =	sld [smem:$0x3FFE];
	_ =	sdelay $0x1  }
0x8a: {  	s1 =	srdreg.scid  }
0x8b: {  	s0 =	sand.u32 $0x1, s1  }
0x8c: {  	s17 =	sshll.u32 s0, $0xA;
	s2 =	sadd.s32 s3, s2  }
0x8d: {  	s2 =	sadd.s32 s2, s17  }
0x8e: {  	[smem:$0x3FC2] =	sst s2  }
0x8f: {  	_ = 	snop  }
0x90: {  	s2 =	sld [smem:$0x3FC9]  }
0x91: {  	s18 =	sld [smem:$0x3FC8];
	(tm) =	ssettm $0x1  }
0x92: {  	s4 =	sld [smem:$0x3FFB];
	_ =	sdelay $0x3  }
0x93: {  	_ =	strace s4  }
0x94: {  	s4 =	sld [smem:$0x3FFC];
	_ =	sdelay $0x3  }
0x95: {  	_ =	strace s4  }
0x96: {  	s4 =	sld [smem:$0x3FFD];
	_ =	sdelay $0x3  }
0x97: {  	_ =	strace s4  }
0x98: {  	_ =	strace $0x8FFFFFFF  }
0x99: {  	s19 =	sld [smem:$0x3FDB];
	_ =	sdelay $0x1  }
0x9a: {  	s5 =	simm.s32 $_scs_section_size  }
0x9b: {  	s6 =	simm.s32 $_size__tile_overlayer_lowered;
	s7 =	simm.s32 $_tile_overlayer_lowered  }
0x9c: {  	s22 =	simm.s32 $0x1BFF;
	s21 =	sshll.u32 s7, $0x1;
	s4 =	sadd.s32 s5, s19  }
0x9d: {  	s8 =	simm.s32 $0x0;
	s20 =	sshll.u32 s6, $0x1;
	s6 =	sadd.s32 s21, s4  }
0x9e: {  	[timem:s8], [sflag:s22] =	dma.local [hbm:s6], s20  }
0x9f: {  	_ =	swait.ge [sflag:s22], s20  }
0xa0: {  	s5 =	ssub.s32 $0x0, s20;
	[sflag:s22] =	ssyncset.done $0x0  }
0xa1: {  	[sflag:s22] =	ssyncadd.s32 s5;
	_ =	sdelay $0x1  }
0xa2: {  	s23 =	simm.s32 $0x1B8B  }
0xa3: {  	_ =	swait.ge [sflag:s23], $0x1  }
0xa4: {  	[sflag:s23] =	ssyncset.done $0x0  }
0xa5: {  	s25 =	simm.s32 $0x1B8E;
	s24 =	sld [smem:$0x3FFE];
	[sflag:s23] =	ssyncadd.s32 $0xFFFFFFFF  }
0xa6: {  	s26 =	simm.s32 $execute0_lowered;
	[smem:$0x3FD2] =	sst s25  }
0xa7: {  	s6 =	sshll.u32 s26, $0x1;
	_ =	strace $0x80000046;
	[dreg:$0x1] =	wrdreg $0xFFFFFFFF  }
0xa8: {  	s28 =	simm.s32 $_size_execute0_lowered;
	s4 =	sadd.s32 s4, s6;
	[dreg:$0x0] =	wrdreg $0x0  }
0xa9: {  	s6 =	sshll.u32 s28, $0x1;
	[dreg:$0x2] =	wrdreg s4  }
0xaa: {  	[dreg:$0x3] =	wrdreg s6  }
0xab: {  	[dreg:$0x4] =	wrdreg $0xC0  }
0xac: {  	_ =	task [dreg:s8], $0x5FFFF  }
0xad: {  	[dreg:$0x1] =	wrdreg $0xFFFFFFFF  }
0xae: {  	[dreg:$0x0] =	wrdreg $0x60  }
0xaf: {  	[dreg:$0x2] =	wrdreg s2  }
0xb0: {  	[dreg:$0x3] =	wrdreg s18  }
0xb1: {  	[dreg:$0x4] =	wrdreg s24  }
0xb2: {  	[dreg:$0x5] =	wrdreg $0x9  }
0xb3: {  	_ =	task.clear_ibuf [dreg:s8], $0x6FFFF;
	_ =	strace $0x90000046  }
0xb4: {  	s29 =	simm.s32 $0x9;
	_ =	strace $0x80000048  }
0xb5: {  	_ =	swait.ge [sflag:s29], $0x1  }
0xb6: {  	[sflag:s29] =	ssyncadd.s32 $0xFFFFFFFF  }
0xb7: {  	_ =	strace $0x90000048  }
0xb8: {  	_ =	sfence  }
0xb9: {  	s30 =	sld [smem:$0x0];
	_ =	sdelay $0x2  }
0xba: {  	s31 =	sshll.u32 s1, $0xD;
	s1 =	sshrl.u32 s1, $0x2  }
0xbb: {  	s3 =	sand.u32 $0x4000, s31;
	s1 =	sadd.s32 s1, s30  }
0xbc: {  	s0 =	sor.u32 s3, s0;
	s1 =	sshll.u32 s1, $0x11  }
0xbd: {  	s0 =	sor.u32 s1, s0  }
0xbe: {  	s0 =	sadd.s32 $0x8F2B, s0  }
0xbf: {  	[sflag:s0] =	ssyncadd.remote.s32 $0x1  }
0xc0: {  	_ =	sfence.sel $0xFFFF  }
0xc1: {  	[dreg:$0x0] =	wrdreg $0xFFFFFFFF;
	(pc) =	sbr.abs _section_cstart, $3  }
0xc2: {  	[dreg:$0x1] =	wrdreg $0xFFFFFFFF  }
0xc3: {  	_ =	task.clear_ibuf [dreg:s8], $0x2FFFF;
	_ =	strace $0x9FFFFFFF  }
0xc4: {  	(tm) =	ssettm $0x7FFFFFFF  }
0xc5: {  	_ =	shalt  }
tec
execute0_lowered:
.L_overlay_start_1:
0x0: {  	(tag) =	ssettag $0x1  }
0x1: {  	s0 =	rddreg [dreg:$0x0]  }
0x2: {  	s1 =	srdreg.scid;
	s8 =	stileid.u32  }
0x3: {  	s2 =	rddreg [dreg:$0x2];
	s3 =	simm.s32 $0x0;
	s13 =	simm.s32 $0x3  }
0x4: {  	s14 =	simm.s32 $0x80;
	s15 =	simm.s32 $0x1;
	s16 =	simm.s32 $0x2  }
0x5: {  	s18 =	simm.s32 $0x0;
	s1 =	sand.u32 $0x1, s1;
	s4 =	sshll.u32 s8, $0x1  }
0x6: {  	[smem:$0x7FF] =	sst s3;
	s8 =	smul.u32 $0x380, s8;
	s4 =	sor.u32 s1, s4  }
0x7: {  	_ =	strace $0x80000047;
	s7 =	smul.u32 $0x1C0, s1;
	s1 =	ssub.s32 $0x2, s1  }
0x8: {  	s5 =	smul.u32 $0x1C0, s4;
	s6 =	sshll.u32 s4, $0x9;
	s29 =	sshrl.u32 s1, $0x1  }
.Ltmp0:
0x9: {  	s2 =	sadd.s32 s6, s2;
	s30 =	ssub.s32 s1, s29;
	(pc) =	sbr.rel .LBB2_1-.Ltmp0, $4  }
0xa: {  	s31 =	sadd.s32 s7, s8;
	s4 =	sadd.s32 $0x4800, s5;
	s2 =	sadd.s32 $0x1000, s2  }
0xb: {  	s8 =	smax.u32 s30, $0x1;
	s9 =	ssub.s32 $0xFFFFB800, s31;
	s5 =	sshll.u32 s4, $0x5  }
0xc: {  	s10 =	sadd.s32 $0x4800, s31;
	s11 =	ssub.s32 $0xFFFFB7C0, s31;
	s5 =	sadd.s32 s0, s5  }
0xd: {  	v0 =	vimm.s32 $0x8000;
	v1 =	vimm.f32 $0.0e+00;
	s12 =	sadd.s32 $0x4840, s31;
	[dreg:$0x4] =	wrdreg s2;
	s6 =	sadd.s32 $0x1000, s5  }
.LBB2_22:
0xe: {  	s18 =	sadd.s32 $0x1, s18  }
0xf: {  	p0 =	sne.s32 s18, s8  }
.Ltmp1:
0x10: {  	s0 =	rddreg [dreg:$0x4];
	s1 =	simm.s32 $0x8080;
	(pc) =	sbr.rel @!p0 .LBB2_23-.Ltmp1, $4  }
0x11: {  	[hbm4b:s0+s3] =	stream.linear.scatter [tilespmem:s1], [sflag:$0x3], $0x1000, $0x38;
	[tilespmem:$0x9080] =	vst v63  }
0x12: {  	_ =	swait.ge [sflag:s13], $0x1000  }
0x13: {  	[sflag:s13] =	ssyncset.done $0x0  }
0x14: {  	[sflag:s13] =	ssyncadd.s32 $0xFFFFF000  }
.LBB2_1:
0x15: {  	s0 =	rddreg [dreg:$0x1]  }
0x16: {  	[tilespmem:s3], [sflag:$0x3] =	stream.linear.gather [hbm4b:s0+s3], $0x10, $0x38;
	[tilespmem:$0x9080] =	vst v63  }
0x17: {  	_ =	swait.ge [sflag:s13], $0x10  }
0x18: {  	[sflag:s13] =	ssyncset.done $0x0  }
0x19: {  	s31 =	sand.u32 $0x800, s3;
	s1 =	sand.u32 $0x380, s3;
	[sflag:s13] =	ssyncadd.s32 $0xFFFFFFF0  }
0x1a: {  	s1 =	sor.u32 s1, s31;
	[tilespmem:$0x10] =	vst v0  }
0x1b: {  	[tilespmem:s1+$0x84F0] =	vst v1  }
0x1c: {  	[tilespmem:s1+$0x8080] =	vst v1  }
0x1d: {  	[tilespmem:s1+$0x8090] =	vst v1  }
0x1e: {  	[tilespmem:s1+$0x80A0] =	vst v1  }
0x1f: {  	[tilespmem:s1+$0x80B0] =	vst v1  }
0x20: {  	[tilespmem:s1+$0x80C0] =	vst v1  }
0x21: {  	[tilespmem:s1+$0x80D0] =	vst v1  }
0x22: {  	[tilespmem:s1+$0x80E0] =	vst v1  }
0x23: {  	[tilespmem:s1+$0x80F0] =	vst v1  }
0x24: {  	[tilespmem:s1+$0x8480] =	vst v1  }
0x25: {  	[tilespmem:s1+$0x8490] =	vst v1  }
0x26: {  	[tilespmem:s1+$0x84A0] =	vst v1  }
0x27: {  	[tilespmem:s1+$0x84B0] =	vst v1  }
0x28: {  	s2 =	simm.s32 $0x100;
	s0 =	simm.s32 $0x80;
	[tilespmem:s1+$0x84C0] =	vst v1  }
0x29: {  	s19 =	sand.u32 $0x800, s2;
	s2 =	simm.s32 $0x200;
	s20 =	sand.u32 $0x380, s0;
	[tilespmem:s1+$0x84D0] =	vst v1  }
.LBB2_2:
0x2a: {  	p0 =	sne.s32 s2, $0xF00;
	[tilespmem:s1+$0x84E0] =	vst v1;
	s1 =	sor.u32 s20, s19  }
0x2b: {  	[tilespmem:s1+$0x84F0] =	vst v1  }
0x2c: {  	[tilespmem:s1+$0x8080] =	vst v1  }
0x2d: {  	[tilespmem:s1+$0x8090] =	vst v1  }
0x2e: {  	[tilespmem:s1+$0x80A0] =	vst v1  }
0x2f: {  	[tilespmem:s1+$0x80B0] =	vst v1  }
0x30: {  	[tilespmem:s1+$0x80C0] =	vst v1  }
0x31: {  	[tilespmem:s1+$0x80D0] =	vst v1  }
0x32: {  	[tilespmem:s1+$0x80E0] =	vst v1  }
0x33: {  	[tilespmem:s1+$0x80F0] =	vst v1  }
0x34: {  	[tilespmem:s1+$0x8480] =	vst v1  }
.Ltmp2:
0x35: {  	[tilespmem:s1+$0x8490] =	vst v1;
	(pc) =	sbr.rel @p0 .LBB2_2-.Ltmp2, $4  }
0x36: {  	[tilespmem:s1+$0x84A0] =	vst v1  }
0x37: {  	[tilespmem:s1+$0x84B0] =	vst v1  }
0x38: {  	s0 =	sadd.s32 $0x80, s0;
	[tilespmem:s1+$0x84C0] =	vst v1  }
0x39: {  	s19 =	sand.u32 $0x800, s2;
	s2 =	sadd.s32 $0x100, s2;
	s20 =	sand.u32 $0x380, s0;
	[tilespmem:s1+$0x84D0] =	vst v1  }
0x3a: {  	s0 =	sor.u32 s20, s19;
	[tilespmem:s1+$0x84E0] =	vst v1  }
0x3b: {  	[tilespmem:s0+$0x84F0] =	vst v1  }
0x3c: {  	[tilespmem:s0+$0x8080] =	vst v1  }
0x3d: {  	[tilespmem:s0+$0x8090] =	vst v1  }
0x3e: {  	[tilespmem:s0+$0x80A0] =	vst v1  }
0x3f: {  	[tilespmem:s0+$0x80B0] =	vst v1  }
0x40: {  	[tilespmem:s0+$0x80C0] =	vst v1  }
0x41: {  	[tilespmem:s0+$0x80D0] =	vst v1  }
0x42: {  	[tilespmem:s0+$0x80E0] =	vst v1  }
0x43: {  	[tilespmem:s0+$0x80F0] =	vst v1  }
0x44: {  	[tilespmem:s0+$0x8480] =	vst v1  }
0x45: {  	[tilespmem:s0+$0x8490] =	vst v1  }
0x46: {  	[tilespmem:s0+$0x84A0] =	vst v1  }
.Ltmp3:
0x47: {  	[tilespmem:s0+$0x84B0] =	vst v1;
	(pc) =	sbr.rel .LBB2_4-.Ltmp3, $4  }
0x48: {  	[tilespmem:s0+$0x84C0] =	vst v1  }
0x49: {  	s19 =	simm.s32 $0x0;
	s20 =	smov.u32 s12;
	[tilespmem:s0+$0x84D0] =	vst v1  }
0x4a: {  	s21 =	smov.u32 s11;
	s22 =	smov.u32 s10;
	s23 =	smov.u32 s9;
	[tilespmem:s0+$0x84E0] =	vst v1  }
0x4b: {  	[tilespmem:s14], [sflag:$0x1] =	stream.linear.gather [hbm4b:s5+s19], $0x4000, $0x38;
	[tilespmem:$0x9080] =	vst v63  }
.LBB2_21:
0x4c: {  	s19 =	sadd.s32 $0x1, s19  }
0x4d: {  	p0 =	sne.s32 s19, $0x4  }
.Ltmp4:
0x4e: {  	_ = 	snop;
	(pc) =	sbr.rel @!p0 .LBB2_22-.Ltmp4, $3  }
0x4f: {  	_ =	sdelay $0x1  }
0x50: {  	s23 =	sadd.s32 $0xFFFFFF80, s23  }
0x51: {  	s22 =	sadd.s32 $0x80, s22;
	s21 =	sadd.s32 $0xFFFFFF80, s21;
	s20 =	sadd.s32 $0x80, s20  }
.LBB2_4:
0x52: {  	s24 =	sshllo.u32 s19, $0x1  }
0x53: {  	p0 =	sgt.u32 s24, $0x6  }
0x54: {  	s0 =	sshll.u32 @!p0 s24, $0xB;
	s1 =	simm.s32 @!p0 $0x0  }
.Ltmp5:
0x55: {  	s2 =	simm.s32 @!p0 $0x4080;
	s0 =	sadd.s32 @!p0 s0, s5;
	(pc) =	sbr.rel .LBB2_5-.Ltmp5, $4  }
0x56: {  	[tilespmem:s2], [sflag:$0x2] =	stream.linear.gather @!p0 [hbm4b:s0+s1], $0x4000, $0x38;
	[tilespmem:$0x9080] =	vst v63  }
0x57: {  	s31 =	sshll.u32 s19, $0x7;
	_ =	swait.ge [sflag:s15], $0x4000  }
0x58: {  	s25 =	sadd.s32 s4, s31;
	[sflag:s15] =	ssyncset.done $0x0  }
0x59: {  	s28 =	simm.s32 $0x0;
	s26 =	sadd.s32 $0x40, s25;
	[sflag:s15] =	ssyncadd.s32 $0xFFFFC000  }
.LBB2_9:
0x5a: {  	v23 =	vld [tilespmem:s31+$0x4D0]  }
0x5b: {  	v24 =	vld [tilespmem:s31+$0x4E0];
	_ =	sdelay $0x1  }
0x5c: {  	v2 =	vadd.f32 v18, v2  }
0x5d: {  	v3 =	vadd.f32 v19, v3;
	v4 =	vadd.f32 v20, v4  }
0x5e: {  	v5 =	vadd.f32 v21, v5;
	v6 =	vadd.f32 v22, v6  }
0x5f: {  	v7 =	vadd.f32 v23, v7;
	v16 =	vadd.f32 v24, v16  }
.LBB2_10:
0x60: {  	s0 =	sadd.s32 $0x8080, s29;
	[tilespmem:s29+$0x8080] =	vst v8  }
0x61: {  	[tilespmem:s0+$0x10] =	vst v9  }
0x62: {  	[tilespmem:s0+$0x20] =	vst v10  }
0x63: {  	[tilespmem:s0+$0x30] =	vst v11  }
0x64: {  	[tilespmem:s0+$0x40] =	vst v12  }
0x65: {  	[tilespmem:s0+$0x50] =	vst v13  }
0x66: {  	[tilespmem:s0+$0x60] =	vst v14  }
0x67: {  	[tilespmem:s0+$0x70] =	vst v15  }
0x68: {  	[tilespmem:s0+$0x400] =	vst v2  }
0x69: {  	[tilespmem:s0+$0x410] =	vst v3  }
0x6a: {  	[tilespmem:s0+$0x420] =	vst v4  }
0x6b: {  	[tilespmem:s0+$0x430] =	vst v5  }
0x6c: {  	[tilespmem:s0+$0x440] =	vst v6  }
0x6d: {  	[tilespmem:s0+$0x450] =	vst v7  }
0x6e: {  	[tilespmem:s0+$0x460] =	vst v16  }
0x6f: {  	[tilespmem:s0+$0x470] =	vst v17  }
.LBB2_11:
0x70: {  	s28 =	sadd.s32 $0x1, s28  }
0x71: {  	p1 =	sne.s32 s28, $0x10  }
.Ltmp6:
0x72: {  	_ = 	snop;
	(pc) =	sbr.rel @!p1 .LBB2_12-.Ltmp6, $1  }
0x73: {  	_ =	sdelay $0x3  }
.LBB2_5:
0x74: {  	v2 =	vld [tilespmem:s28+$0x0]  }
0x75: {  	v3 =	vld [tilespmem:s28+$0x1];
	_ =	sdelay $0x3  }
0x76: {  	(v2sf) =	vpush v2, $0x0  }
0x77: {  	(v2sf) =	vpush v3, $0x0;
	_ =	sdelay $0xd  }
0x78: {  	s0 =	spop (v2sf)  }
0x79: {  	s2 =	smov.u32 s25;
	s1 =	spop (v2sf)  }
0x7a: {  	s29 =	smov.u32 s26;
	p1 =	sgt.s32 s0, s25;
	p2 =	slt.s32 s1, s26  }
0x7b: {  	s2 =	smov.u32 @p1 s0;
	s29 =	smov.u32 @p2 s1  }
0x7c: {  	s1 =	ssub.s32 s2, s25;
	s2 =	ssub.s32 s29, s25  }
0x7d: {  	p1 =	sle.s32 s2, s1  }
.Ltmp7:
0x7e: {  	_ = 	snop;
	(pc) =	sbr.rel @p1 .LBB2_11-.Ltmp7, $1  }
0x7f: {  	_ =	sdelay $0x3  }
0x80: {  	s29 =	sshll.u32 s28, $0x8;
	s30 =	sshll.u32 s28, $0x7  }
0x81: {  	s29 =	sand.u32 $0x800, s29;
	s30 =	sand.u32 $0x380, s30  }
0x82: {  	s29 =	sor.u32 s30, s29  }
0x83: {  	v8 =	vld [tilespmem:s29+$0x8080]  }
0x84: {  	v9 =	vld [tilespmem:s29+$0x8090]  }
0x85: {  	v10 =	vld [tilespmem:s29+$0x80A0]  }
0x86: {  	v11 =	vld [tilespmem:s29+$0x80B0]  }
0x87: {  	v12 =	vld [tilespmem:s29+$0x80C0]  }
0x88: {  	v13 =	vld [tilespmem:s29+$0x80D0]  }
0x89: {  	v14 =	vld [tilespmem:s29+$0x80E0]  }
0x8a: {  	v15 =	vld [tilespmem:s29+$0x80F0]  }
0x8b: {  	v2 =	vld [tilespmem:s29+$0x8480]  }
0x8c: {  	s30 =	ssub.s32 s2, s1;
	v3 =	vld [tilespmem:s29+$0x8490]  }
0x8d: {  	v4 =	vld [tilespmem:s29+$0x84A0];
	p1 =	slt.s32 s30, $0x1  }
.Ltmp8:
0x8e: {  	v5 =	vld [tilespmem:s29+$0x84B0];
	(pc) =	sbr.rel @p1 .LBB2_10-.Ltmp8, $4  }
0x8f: {  	v6 =	vld [tilespmem:s29+$0x84C0]  }
0x90: {  	v7 =	vld [tilespmem:s29+$0x84D0]  }
0x91: {  	v16 =	vld [tilespmem:s29+$0x84E0]  }
0x92: {  	v17 =	vld [tilespmem:s29+$0x84F0]  }
0x93: {  	p1 =	sgt.s32 s0, s22;
	s1 =	smov.u32 s22  }
0x94: {  	s1 =	smov.u32 @p1 s0  }
0x95: {  	s0 =	sadd.s32 s1, s23  }
0x96: {  	s2 =	sshll.u32 s0, $0x7;
	s17 =	sshll.u32 s0, $0x8  }
0x97: {  	s0 =	sand.u32 $0xFFFFF800, s17;
	s7 =	sand.u32 $0x380, s2  }
0x98: {  	s31 =	sor.u32 s7, s0  }
0x99: {  	v18 =	vld [tilespmem:s31+$0x4F0]  }
0x9a: {  	v19 =	vld [tilespmem:s31+$0x80]  }
0x9b: {  	v20 =	vld [tilespmem:s31+$0x90]  }
0x9c: {  	v21 =	vld [tilespmem:s31+$0xA0]  }
0x9d: {  	v22 =	vld [tilespmem:s31+$0xB0]  }
0x9e: {  	v23 =	vld [tilespmem:s31+$0xC0]  }
0x9f: {  	v24 =	vld [tilespmem:s31+$0xD0]  }
0xa0: {  	v25 =	vld [tilespmem:s31+$0xE0]  }
0xa1: {  	p1 =	sgt.s32 s30, $0x1;
	v26 =	vld [tilespmem:s31+$0xF0]  }
.Ltmp9:
0xa2: {  	v17 =	vadd.f32 v18, v17;
	v18 =	vld [tilespmem:s31+$0x480];
	(pc) =	sbr.rel @!p1 .LBB2_9-.Ltmp9, $4  }
0xa3: {  	v8 =	vadd.f32 v19, v8;
	v9 =	vadd.f32 v20, v9;
	v19 =	vld [tilespmem:s31+$0x490]  }
0xa4: {  	v10 =	vadd.f32 v21, v10;
	v11 =	vadd.f32 v22, v11;
	v20 =	vld [tilespmem:s31+$0x4A0]  }
0xa5: {  	v12 =	vadd.f32 v23, v12;
	v13 =	vadd.f32 v24, v13;
	v21 =	vld [tilespmem:s31+$0x4B0]  }
0xa6: {  	s1 =	simm.s32 $0x1;
	s0 =	sadd.s32 $0x80, s2;
	s2 =	sadd.s32 $0x100, s17;
	v14 =	vadd.f32 v25, v14;
	v15 =	vadd.f32 v26, v15;
	v22 =	vld [tilespmem:s31+$0x4C0]  }
.LBB2_8:
0xa7: {  	s17 =	sand.u32 $0xFFFFF800, s2;
	s7 =	sand.u32 $0x380, s0;
	s1 =	sadd.s32 $0x1, s1;
	v2 =	vadd.f32 v18, v2;
	v18 =	vld [tilespmem:s31+$0x4D0]  }
0xa8: {  	v3 =	vadd.f32 v19, v3;
	p1 =	slt.s32 s1, s30;
	v19 =	vld [tilespmem:s31+$0x4E0];
	s31 =	sor.u32 s7, s17  }
0xa9: {  	v4 =	vadd.f32 v20, v4;
	v23 =	vld [tilespmem:s31+$0x4F0]  }
0xaa: {  	v5 =	vadd.f32 v21, v5;
	v20 =	vld [tilespmem:s31+$0x80]  }
0xab: {  	v6 =	vadd.f32 v22, v6;
	v21 =	vld [tilespmem:s31+$0x90]  }
0xac: {  	v22 =	vld [tilespmem:s31+$0xA0];
	v7 =	vadd.f32 v18, v7  }
0xad: {  	v18 =	vld [tilespmem:s31+$0xB0];
	v16 =	vadd.f32 v19, v16  }
0xae: {  	v19 =	vld [tilespmem:s31+$0xC0];
	v17 =	vadd.f32 v23, v17  }
0xaf: {  	v8 =	vadd.f32 v20, v8;
	v20 =	vld [tilespmem:s31+$0xD0]  }
0xb0: {  	v9 =	vadd.f32 v21, v9;
	v21 =	vld [tilespmem:s31+$0xE0]  }
0xb1: {  	v10 =	vadd.f32 v22, v10;
	v22 =	vld [tilespmem:s31+$0xF0]  }
.Ltmp10:
0xb2: {  	v11 =	vadd.f32 v18, v11;
	v18 =	vld [tilespmem:s31+$0x480];
	(pc) =	sbr.rel @p1 .LBB2_8-.Ltmp10, $4  }
0xb3: {  	v12 =	vadd.f32 v19, v12;
	v19 =	vld [tilespmem:s31+$0x490]  }
0xb4: {  	v13 =	vadd.f32 v20, v13;
	v20 =	vld [tilespmem:s31+$0x4A0]  }
0xb5: {  	v14 =	vadd.f32 v21, v14;
	v21 =	vld [tilespmem:s31+$0x4B0]  }
0xb6: {  	s0 =	sadd.s32 $0x80, s0;
	s2 =	sadd.s32 $0x100, s2;
	v15 =	vadd.f32 v22, v15;
	v22 =	vld [tilespmem:s31+$0x4C0]  }
.Ltmp11:
0xb7: {  	_ = 	snop;
	(pc) =	sbr.rel .LBB2_9-.Ltmp11, $1  }
0xb8: {  	_ =	sdelay $0x3  }
.LBB2_12:
.Ltmp12:
0xb9: {  	(pc) =	sbr.rel @p0 .LBB2_21-.Ltmp12, $1  }
0xba: {  	_ =	sdelay $0x3  }
0xbb: {  	s0 =	sshll.u32 s19, $0xC  }
.Ltmp13:
0xbc: {  	s25 =	simm.s32 $0x0;
	s0 =	sadd.s32 s0, s6;
	(pc) =	sbr.rel .LBB2_14-.Ltmp13, $4  }
0xbd: {  	[tilespmem:s14], [sflag:$0x1] =	stream.linear.gather [hbm4b:s0+s25], $0x4000, $0x38;
	[tilespmem:$0x9080] =	vst v63  }
0xbe: {  	s31 =	sshll.u32 s24, $0x6;
	_ =	swait.ge [sflag:s16], $0x4000  }
0xbf: {  	s24 =	sadd.s32 s4, s31;
	[sflag:s16] =	ssyncset.done $0x0  }
0xc0: {  	s26 =	sadd.s32 $0x40, s24;
	[sflag:s16] =	ssyncadd.s32 $0xFFFFC000  }
.LBB2_18:
0xc1: {  	v23 =	vld [tilespmem:s30+$0x44D0]  }
0xc2: {  	v24 =	vld [tilespmem:s30+$0x44E0];
	_ =	sdelay $0x1  }
0xc3: {  	v2 =	vadd.f32 v18, v2  }
0xc4: {  	v3 =	vadd.f32 v19, v3;
	v4 =	vadd.f32 v20, v4  }
0xc5: {  	v5 =	vadd.f32 v21, v5;
	v6 =	vadd.f32 v22, v6  }
0xc6: {  	v7 =	vadd.f32 v23, v7;
	v16 =	vadd.f32 v24, v16  }
.LBB2_19:
0xc7: {  	s0 =	sadd.s32 $0x8080, s28;
	[tilespmem:s28+$0x8080] =	vst v8  }
0xc8: {  	[tilespmem:s0+$0x10] =	vst v9  }
0xc9: {  	[tilespmem:s0+$0x20] =	vst v10  }
0xca: {  	[tilespmem:s0+$0x30] =	vst v11  }
0xcb: {  	[tilespmem:s0+$0x40] =	vst v12  }
0xcc: {  	[tilespmem:s0+$0x50] =	vst v13  }
0xcd: {  	[tilespmem:s0+$0x60] =	vst v14  }
0xce: {  	[tilespmem:s0+$0x70] =	vst v15  }
0xcf: {  	[tilespmem:s0+$0x400] =	vst v2  }
0xd0: {  	[tilespmem:s0+$0x410] =	vst v3  }
0xd1: {  	[tilespmem:s0+$0x420] =	vst v4  }
0xd2: {  	[tilespmem:s0+$0x430] =	vst v5  }
0xd3: {  	[tilespmem:s0+$0x440] =	vst v6  }
0xd4: {  	[tilespmem:s0+$0x450] =	vst v7  }
0xd5: {  	[tilespmem:s0+$0x460] =	vst v16  }
0xd6: {  	[tilespmem:s0+$0x470] =	vst v17  }
.LBB2_20:
0xd7: {  	s25 =	sadd.s32 $0x1, s25  }
0xd8: {  	p0 =	sne.s32 s25, $0x10  }
.Ltmp14:
0xd9: {  	_ = 	snop;
	(pc) =	sbr.rel @!p0 .LBB2_21-.Ltmp14, $1  }
0xda: {  	_ =	sdelay $0x3  }
.LBB2_14:
0xdb: {  	v2 =	vld [tilespmem:s25+$0x0]  }
0xdc: {  	v3 =	vld [tilespmem:s25+$0x1];
	_ =	sdelay $0x3  }
0xdd: {  	(v2sf) =	vpush v2, $0x0  }
0xde: {  	(v2sf) =	vpush v3, $0x0;
	_ =	sdelay $0xd  }
0xdf: {  	s0 =	spop (v2sf)  }
0xe0: {  	s2 =	smov.u32 s24;
	s1 =	spop (v2sf)  }
0xe1: {  	s7 =	smov.u32 s26;
	p0 =	sgt.s32 s0, s24;
	p1 =	slt.s32 s1, s26  }
0xe2: {  	s2 =	smov.u32 @p0 s0;
	s7 =	smov.u32 @p1 s1  }
0xe3: {  	s1 =	ssub.s32 s2, s24;
	s2 =	ssub.s32 s7, s24  }
0xe4: {  	p0 =	sle.s32 s2, s1  }
.Ltmp15:
0xe5: {  	_ = 	snop;
	(pc) =	sbr.rel @p0 .LBB2_20-.Ltmp15, $1  }
0xe6: {  	_ =	sdelay $0x3  }
0xe7: {  	s7 =	sshll.u32 s25, $0x8;
	s17 =	sshll.u32 s25, $0x7  }
0xe8: {  	s7 =	sand.u32 $0x800, s7;
	s17 =	sand.u32 $0x380, s17  }
0xe9: {  	s28 =	sor.u32 s17, s7  }
0xea: {  	v8 =	vld [tilespmem:s28+$0x8080]  }
0xeb: {  	v9 =	vld [tilespmem:s28+$0x8090]  }
0xec: {  	v10 =	vld [tilespmem:s28+$0x80A0]  }
0xed: {  	v11 =	vld [tilespmem:s28+$0x80B0]  }
0xee: {  	v12 =	vld [tilespmem:s28+$0x80C0]  }
0xef: {  	v13 =	vld [tilespmem:s28+$0x80D0]  }
0xf0: {  	v14 =	vld [tilespmem:s28+$0x80E0]  }
0xf1: {  	v15 =	vld [tilespmem:s28+$0x80F0]  }
0xf2: {  	v2 =	vld [tilespmem:s28+$0x8480]  }
0xf3: {  	s29 =	ssub.s32 s2, s1;
	v3 =	vld [tilespmem:s28+$0x8490]  }
0xf4: {  	p0 =	slt.s32 s29, $0x1;
	v4 =	vld [tilespmem:s28+$0x84A0]  }
.Ltmp16:
0xf5: {  	v5 =	vld [tilespmem:s28+$0x84B0];
	(pc) =	sbr.rel @p0 .LBB2_19-.Ltmp16, $4  }
0xf6: {  	v6 =	vld [tilespmem:s28+$0x84C0]  }
0xf7: {  	v7 =	vld [tilespmem:s28+$0x84D0]  }
0xf8: {  	v16 =	vld [tilespmem:s28+$0x84E0]  }
0xf9: {  	v17 =	vld [tilespmem:s28+$0x84F0]  }
0xfa: {  	p0 =	sgt.s32 s0, s20;
	s1 =	smov.u32 s20  }
0xfb: {  	s1 =	smov.u32 @p0 s0  }
0xfc: {  	s0 =	sadd.s32 s1, s21  }
0xfd: {  	s2 =	sshll.u32 s0, $0x7;
	s7 =	sshll.u32 s0, $0x8  }
0xfe: {  	s0 =	sand.u32 $0xFFFFF800, s7;
	s31 =	sand.u32 $0x380, s2  }
0xff: {  	s30 =	sor.u32 s31, s0  }
0x100: {  	v18 =	vld [tilespmem:s30+$0x44F0]  }
0x101: {  	v19 =	vld [tilespmem:s30+$0x4080]  }
0x102: {  	v20 =	vld [tilespmem:s30+$0x4090]  }
0x103: {  	v21 =	vld [tilespmem:s30+$0x40A0]  }
0x104: {  	v22 =	vld [tilespmem:s30+$0x40B0]  }
0x105: {  	v23 =	vld [tilespmem:s30+$0x40C0]  }
0x106: {  	v24 =	vld [tilespmem:s30+$0x40D0]  }
0x107: {  	v25 =	vld [tilespmem:s30+$0x40E0]  }
0x108: {  	p0 =	sgt.s32 s29, $0x1;
	v26 =	vld [tilespmem:s30+$0x40F0]  }
.Ltmp17:
0x109: {  	v17 =	vadd.f32 v18, v17;
	v18 =	vld [tilespmem:s30+$0x4480];
	(pc) =	sbr.rel @!p0 .LBB2_18-.Ltmp17, $4  }
0x10a: {  	v8 =	vadd.f32 v19, v8;
	v9 =	vadd.f32 v20, v9;
	v19 =	vld [tilespmem:s30+$0x4490]  }
0x10b: {  	v10 =	vadd.f32 v21, v10;
	v11 =	vadd.f32 v22, v11;
	v20 =	vld [tilespmem:s30+$0x44A0]  }
0x10c: {  	v12 =	vadd.f32 v23, v12;
	v13 =	vadd.f32 v24, v13;
	v21 =	vld [tilespmem:s30+$0x44B0]  }
0x10d: {  	s1 =	simm.s32 $0x1;
	s0 =	sadd.s32 $0x80, s2;
	s2 =	sadd.s32 $0x100, s7;
	v14 =	vadd.f32 v25, v14;
	v15 =	vadd.f32 v26, v15;
	v22 =	vld [tilespmem:s30+$0x44C0]  }
.LBB2_17:
0x10e: {  	s7 =	sand.u32 $0xFFFFF800, s2;
	s17 =	sand.u32 $0x380, s0;
	s1 =	sadd.s32 $0x1, s1;
	v2 =	vadd.f32 v18, v2;
	v18 =	vld [tilespmem:s30+$0x44D0]  }
0x10f: {  	v3 =	vadd.f32 v19, v3;
	p0 =	slt.s32 s1, s29;
	v19 =	vld [tilespmem:s30+$0x44E0];
	s30 =	sor.u32 s17, s7  }
0x110: {  	v4 =	vadd.f32 v20, v4;
	v23 =	vld [tilespmem:s30+$0x44F0]  }
0x111: {  	v5 =	vadd.f32 v21, v5;
	v20 =	vld [tilespmem:s30+$0x4080]  }
0x112: {  	v6 =	vadd.f32 v22, v6;
	v21 =	vld [tilespmem:s30+$0x4090]  }
0x113: {  	v22 =	vld [tilespmem:s30+$0x40A0];
	v7 =	vadd.f32 v18, v7  }
0x114: {  	v18 =	vld [tilespmem:s30+$0x40B0];
	v16 =	vadd.f32 v19, v16  }
0x115: {  	v19 =	vld [tilespmem:s30+$0x40C0];
	v17 =	vadd.f32 v23, v17  }
0x116: {  	v8 =	vadd.f32 v20, v8;
	v20 =	vld [tilespmem:s30+$0x40D0]  }
0x117: {  	v9 =	vadd.f32 v21, v9;
	v21 =	vld [tilespmem:s30+$0x40E0]  }
0x118: {  	v10 =	vadd.f32 v22, v10;
	v22 =	vld [tilespmem:s30+$0x40F0]  }
.Ltmp18:
0x119: {  	v11 =	vadd.f32 v18, v11;
	v18 =	vld [tilespmem:s30+$0x4480];
	(pc) =	sbr.rel @p0 .LBB2_17-.Ltmp18, $4  }
0x11a: {  	v12 =	vadd.f32 v19, v12;
	v19 =	vld [tilespmem:s30+$0x4490]  }
0x11b: {  	v13 =	vadd.f32 v20, v13;
	v20 =	vld [tilespmem:s30+$0x44A0]  }
0x11c: {  	v14 =	vadd.f32 v21, v14;
	v21 =	vld [tilespmem:s30+$0x44B0]  }
0x11d: {  	s0 =	sadd.s32 $0x80, s0;
	s2 =	sadd.s32 $0x100, s2;
	v15 =	vadd.f32 v22, v15;
	v22 =	vld [tilespmem:s30+$0x44C0]  }
.Ltmp19:
0x11e: {  	_ = 	snop;
	(pc) =	sbr.rel .LBB2_18-.Ltmp19, $1  }
0x11f: {  	_ =	sdelay $0x3  }
.LBB2_23:
0x120: {  	_ =	sfence.sel $0x180000  }
0x121: {  	[bflag:$0x0] =	sbarrier.arrive $0xFFFF  }
0x122: {  	_ =	strace $0x90000047  }
0x123: {  	s0 =	stileid.u32;
	[bflag:$0x2] =	sbarrier.arrive $0xFFFF  }
0x124: {  	p0 =	sne.s32 s0, $0x0;
	s0 =	rddreg [dreg:$0x3]  }
0x125: {  	s0 =	sadd.s32 @!p0 $0x100000, s0  }
0x126: {  	[sflag:s0] =	ssyncadd.tile.s32 @!p0 $0x1;
	_ =	shalt  }
.Lfunc_end2:
_tile_overlayer_lowered:
.L_overlay_start_2:
0x127: {  	(tag) =	ssettag $0x2  }
0x128: {  	s0 =	rddreg [dreg:$0x0];
	s2 =	stileid.u32  }
0x129: {  	s1 =	rddreg [dreg:$0x1];
	p0 =	sne.s32 s2, $0x0  }
0x12a: {  	s3 =	rddreg [dreg:$0x2];
	[bflag:$0x3] =	sbarrier.arrive $0xFFFF;
	s2 =	simm.s32 @!p0 $0x1C03  }
0x12b: {  	[timem:s3], [sflag:s2] =	dma.local @!p0 [hbm:s0], s1  }
0x12c: {  	s0 =	simm.s32 @!p0 $0x3  }
0x12d: {  	_ =	swait.ge @!p0 [sflag:s0], s1  }
0x12e: {  	s1 =	ssub.s32 @!p0 $0x0, s1;
	[sflag:s0] =	ssyncset.done @!p0 $0x0  }
0x12f: {  	[sflag:s0] =	ssyncadd.s32 @!p0 s1  }
0x130: {  	[bflag:$0x3] =	sbarrier.arrive $0xFFFF  }
0x131: {  	_ =	shalt  }

</sc_bundles>
